<compile_context>
chip_gen: v7x
topology: tpu7x:2x2x1
jax: 0.10.2.dev20260603
libtpu: 0.0.44.dev20260713+nightly
codegen_flags: <defaults>
</compile_context>

<pallas_src>
import functools

import jax
import jax.numpy as jnp
from jax import lax
from jax.experimental import pallas as pl
from jax.experimental.pallas import tpu as pltpu
from jax.experimental.pallas import tpu_sc as plsc

NI, NJ, NK = 5000, 200, 10
NJP = 208

B_OFF = 5008
S_TOT = 55040

NC, NS = 2, 16
NW = NC * NS
NA = 100000
CHUNK = 3120
REM = NA - NW * CHUNK
FROWS = CHUNK // 128
TAIL16 = (CHUNK - FROWS * 128) // 16
SCR = CHUNK + REM


def _tables_body(x_ref, o_ref, dmo_ref):
    x = x_ref[...]
    valid = lax.broadcasted_iota(jnp.int32, (1, NJP), 1) < NJ
    sn = jax.nn.sigmoid(-x)
    s = 1.0 - sn
    o = jnp.log(sn * (1.0 / NK))
    d = jnp.log(s + sn * (1.0 / NK))
    o_ref[...] = jnp.where(valid, o, 0.0)
    dmo_ref[...] = jnp.where(valid, d - o, 0.0)


_tables = pl.pallas_call(
    _tables_body,
    out_shape=[jax.ShapeDtypeStruct((1, NJP), jnp.float32)] * 2,
)


def _sc_body(o_hbm, dmo_hbm, ii_hbm, jj_hbm, y_hbm,
             out_hbm, ii_v, jj_v, y_v, tab_o, tab_dmo, acc, sem_i, sem_t):
    cid = lax.axis_index("c")
    sid = lax.axis_index("s")
    wid = sid * NC + cid
    base = wid * CHUNK

    cp_ii = pltpu.async_copy(ii_hbm.at[pl.ds(base, CHUNK)],
                             ii_v.at[pl.ds(0, CHUNK)], sem_i)
    cp_jj = pltpu.async_copy(jj_hbm.at[pl.ds(base, CHUNK)],
                             jj_v.at[pl.ds(0, CHUNK)], sem_i)
    cp_y = pltpu.async_copy(y_hbm.at[pl.ds(base, CHUNK)],
                            y_v.at[pl.ds(0, CHUNK)], sem_i)
    cp_ii2 = pltpu.async_copy(ii_hbm.at[pl.ds(NW * CHUNK, REM)],
                              ii_v.at[pl.ds(CHUNK, REM)], sem_i)
    cp_jj2 = pltpu.async_copy(jj_hbm.at[pl.ds(NW * CHUNK, REM)],
                              jj_v.at[pl.ds(CHUNK, REM)], sem_i)
    cp_y2 = pltpu.async_copy(y_hbm.at[pl.ds(NW * CHUNK, REM)],
                             y_v.at[pl.ds(CHUNK, REM)], sem_i)
    cp_to = pltpu.async_copy(o_hbm.at[0], tab_o, sem_t)
    cp_td = pltpu.async_copy(dmo_hbm.at[0], tab_dmo, sem_t)

    zero16 = jnp.zeros((16,), jnp.float32)

    def zbody(i, c):
        for u in range(8):
            acc[pl.ds(i * 128 + u * 16, 16)] = zero16
        return c

    lax.fori_loop(0, S_TOT // 128, zbody, 0)

    cp_ii.wait()
    cp_jj.wait()
    cp_y.wait()
    cp_ii2.wait()
    cp_jj2.wait()
    cp_y2.wait()
    cp_to.wait()
    cp_td.wait()

    def step(sl):
        ii16 = ii_v[sl]
        jj16 = jj_v[sl]
        y16 = y_v[sl]
        o16 = plsc.load_gather(tab_o, [jj16])
        d16 = plsc.load_gather(tab_dmo, [jj16])
        plsc.addupdate_scatter(acc, [ii16], o16)
        plsc.addupdate_scatter(acc, [B_OFF + y16 * NI + ii16], d16)

    def mbody(j, c):
        for u in range(8):
            step(pl.ds(j * 128 + u * 16, 16))
        return c

    lax.fori_loop(0, FROWS, mbody, 0)

    ntail = TAIL16 + jnp.where(wid == NW - 1, REM // 16, 0)

    def tbody(t, c):
        step(pl.ds(FROWS * 128 + t * 16, 16))
        return c

    lax.fori_loop(0, ntail, tbody, 0)

    pltpu.sync_copy(acc, out_hbm.at[wid])


_sc_scatter = functools.partial(
    pl.kernel,
    out_type=jax.ShapeDtypeStruct((NW, S_TOT), jnp.float32),
    mesh=plsc.VectorSubcoreMesh(core_axis_name="c", subcore_axis_name="s"),
    compiler_params=pltpu.CompilerParams(needs_layout_passes=False),
    scratch_types=[
        pltpu.VMEM((SCR,), jnp.int32),
        pltpu.VMEM((SCR,), jnp.int32),
        pltpu.VMEM((SCR,), jnp.int32),
        pltpu.VMEM((NJP,), jnp.float32),
        pltpu.VMEM((NJP,), jnp.float32),
        pltpu.VMEM((S_TOT,), jnp.float32),
        pltpu.SemaphoreType.DMA,
        pltpu.SemaphoreType.DMA,
    ],
)(_sc_body)


def _reduce_body(p_ref, r_ref):
    r_ref[...] = jnp.sum(p_ref[...], axis=0)


_reduce = pl.pallas_call(
    _reduce_body,
    out_shape=jax.ShapeDtypeStruct((S_TOT,), jnp.float32),
)


def _final_body(a_ref, b_ref, qzt_ref, vq_ref):
    b = b_ref[...]
    a = a_ref[...]
    m = jnp.max(b, axis=0, keepdims=True)
    e = jnp.exp(b - m)
    se = jnp.sum(e, axis=0, keepdims=True)
    qzt_ref[...] = e / se
    vq_ref[...] = a + m + jnp.log(se)


_final = pl.pallas_call(
    _final_body,
    out_shape=[jax.ShapeDtypeStruct((NK, NI), jnp.float32),
               jax.ShapeDtypeStruct((1, NI), jnp.float32)],
)


def kernel(snr_logit, ii, jj, y):
    x = jnp.pad(snr_logit, (0, NJP - NJ)).reshape(1, NJP)
    o_tab, dmo_tab = _tables(x)

    partials = _sc_scatter(o_tab, dmo_tab, ii, jj, y)
    red = _reduce(partials)

    a = red[:NI].reshape(1, NI)
    b = red[B_OFF:B_OFF + NI * NK].reshape(NK, NI)
    qzt, vq = _final(a, b)
    return qzt.T, vq.reshape(NI)

# --- scband reference (transcript-rebuilt; emitter-appended) ---
"""Pipeline reference for scband-vq-net-17660905521352 (READ-ONLY COPY).

The authoritative reference and input builder live on the scoring server;
editing this copy changes nothing except your own understanding.
"""

import jax, jax.numpy as jnp
import numpy as np

I, J, K = 5000, 200, 10
N = 100000


def setup_inputs(seed: int = 0) -> dict:
    key = jax.random.key(seed)
    k1, k2, k3, k4 = jax.random.split(key, 4)
    snr_logit = jax.random.uniform(k1, (J,), jnp.float32, minval=-0.07, maxval=0.07)
    ii = jax.random.randint(k2, (N,), 0, I, dtype=jnp.int32)
    jj = jax.random.randint(k3, (N,), 0, J, dtype=jnp.int32)
    y = jax.random.randint(k4, (N,), 0, K, dtype=jnp.int32)
    return {"snr_logit": snr_logit, "ii": ii, "jj": jj, "y": y}


def reference(snr_logit, ii, jj, y):
    # buffers from set_K
    signal_const = jnp.eye(K, dtype=jnp.float32)[None, :, :]            # [1, K, K]
    noise_const = (jnp.ones((K, K), dtype=jnp.float32) / K)[None, :, :]  # [1, K, K]
    # theta: [J, K, K]
    s = jax.nn.sigmoid(snr_logit)[:, None, None]
    sn = jax.nn.sigmoid(-snr_logit)[:, None, None]
    theta = (s * signal_const + sn * noise_const) / 2.0
    # mask is None branch
    log_theta = jnp.log(theta / theta.sum(-1, keepdims=True))           # [J, K, K]
    # log_theta.swapaxes(-2,-1)[jj, y] -> [N, K]
    rows = jnp.swapaxes(log_theta, -2, -1)[jj, y]
    # one_hot(ii, I).T @ rows == scatter-add by task id -> segment_sum
    complete_log_lik = jax.ops.segment_sum(rows, ii, num_segments=I)    # [I, K]
    qz = jax.lax.stop_gradient(jax.nn.softmax(complete_log_lik, axis=-1))
    Vq = (qz * complete_log_lik).sum(-1) - (qz * jnp.log(qz)).sum(-1)   # [I]
    return qz, Vq

if __name__ == "__main__":
    import jax
    _d = setup_inputs()
    print(jax.jit(kernel)(*tuple(_d.values())))

</pallas_src>

<mosaic_0001>
#map = affine_map<(d0, d1) -> (0, 0)>
#map1 = affine_map<(d0, d1) -> (0)>
module attributes {stable_mosaic.version = 14 : i64} {
  func.func @_sc_body(%arg0: i32, %arg1: i32, %arg2: memref<1x208xf32, #tpu.memory_space<hbm>>, %arg3: memref<1x208xf32, #tpu.memory_space<hbm>>, %arg4: memref<100000xi32, #tpu.memory_space<hbm>>, %arg5: memref<100000xi32, #tpu.memory_space<hbm>>, %arg6: memref<100000xi32, #tpu.memory_space<hbm>>, %arg7: memref<32x55040xf32, #tpu.memory_space<hbm>>, %arg8: memref<3280xi32, #tpu.memory_space<vmem>>, %arg9: memref<3280xi32, #tpu.memory_space<vmem>>, %arg10: memref<3280xi32, #tpu.memory_space<vmem>>, %arg11: memref<208xf32, #tpu.memory_space<vmem>>, %arg12: memref<208xf32, #tpu.memory_space<vmem>>, %arg13: memref<55040xf32, #tpu.memory_space<vmem>>, %arg14: memref<!tpu.dma_semaphore, #tpu.memory_space<semaphore_mem>>, %arg15: memref<!tpu.dma_semaphore, #tpu.memory_space<semaphore_mem>>) attributes {dimension_semantics = [#tpu.dimension_semantics<core_parallel>, #tpu.dimension_semantics<subcore_parallel>], iteration_bounds = array<i64: 2, 16>, scalar_prefetch = 0 : i64, scratch_operands = 8 : i64, tpu.core_type = #tpu.core_type<sc_vector_subcore>, window_params = [{transform_indices = #map}, {transform_indices = #map}, {transform_indices = #map1}, {transform_indices = #map1}, {transform_indices = #map1}, {transform_indices = #map}]} {
    %mul3A = arith.constant 2 : i32
    %mul3A_0 = arith.muli %arg1, %mul3A : i32
    %add3A = arith.addi %mul3A_0, %arg0 : i32
    %mul3A_1 = arith.constant 3120 : i32
    %mul3A_2 = arith.muli %add3A, %mul3A_1 : i32
    %dma_start3A = arith.constant 0 : i32
    %dma_start3A_3 = tpu.memref_slice %arg8[%dma_start3A] : memref<3280xi32, #tpu.memory_space<vmem>> -> memref<3120xi32, #tpu.memory_space<vmem>>
    %dma_start3A_4 = tpu.memref_slice %arg4[%mul3A_2] : memref<100000xi32, #tpu.memory_space<hbm>> -> memref<3120xi32, #tpu.memory_space<hbm>>
    %dma_start3A_5 = arith.constant 0 : i32
    %dma_start3A_6 = tpu.memref_slice %arg8[%dma_start3A_5] : memref<3280xi32, #tpu.memory_space<vmem>> -> memref<3120xi32, #tpu.memory_space<vmem>>
    %dma_start3A_7 = tpu.memref_slice %arg4[%mul3A_2] : memref<100000xi32, #tpu.memory_space<hbm>> -> memref<3120xi32, #tpu.memory_space<hbm>>
    tpu.enqueue_dma source(%dma_start3A_7 : memref<3120xi32, #tpu.memory_space<hbm>>) target(%dma_start3A_6 : memref<3120xi32, #tpu.memory_space<vmem>>) target_semaphore(%arg14 : memref<!tpu.dma_semaphore, #tpu.memory_space<semaphore_mem>>)
    %dma_start3A_8 = arith.constant 0 : i32
    %dma_start3A_9 = tpu.memref_slice %arg9[%dma_start3A_8] : memref<3280xi32, #tpu.memory_space<vmem>> -> memref<3120xi32, #tpu.memory_space<vmem>>
    %dma_start3A_10 = tpu.memref_slice %arg5[%mul3A_2] : memref<100000xi32, #tpu.memory_space<hbm>> -> memref<3120xi32, #tpu.memory_space<hbm>>
    %dma_start3A_11 = arith.constant 0 : i32
    %dma_start3A_12 = tpu.memref_slice %arg9[%dma_start3A_11] : memref<3280xi32, #tpu.memory_space<vmem>> -> memref<3120xi32, #tpu.memory_space<vmem>>
    %dma_start3A_13 = tpu.memref_slice %arg5[%mul3A_2] : memref<100000xi32, #tpu.memory_space<hbm>> -> memref<3120xi32, #tpu.memory_space<hbm>>
    tpu.enqueue_dma source(%dma_start3A_13 : memref<3120xi32, #tpu.memory_space<hbm>>) target(%dma_start3A_12 : memref<3120xi32, #tpu.memory_space<vmem>>) target_semaphore(%arg14 : memref<!tpu.dma_semaphore, #tpu.memory_space<semaphore_mem>>)
    %dma_start3A_14 = arith.constant 0 : i32
    %dma_start3A_15 = tpu.memref_slice %arg10[%dma_start3A_14] : memref<3280xi32, #tpu.memory_space<vmem>> -> memref<3120xi32, #tpu.memory_space<vmem>>
    %dma_start3A_16 = tpu.memref_slice %arg6[%mul3A_2] : memref<100000xi32, #tpu.memory_space<hbm>> -> memref<3120xi32, #tpu.memory_space<hbm>>
    %dma_start3A_17 = arith.constant 0 : i32
    %dma_start3A_18 = tpu.memref_slice %arg10[%dma_start3A_17] : memref<3280xi32, #tpu.memory_space<vmem>> -> memref<3120xi32, #tpu.memory_space<vmem>>
    %dma_start3A_19 = tpu.memref_slice %arg6[%mul3A_2] : memref<100000xi32, #tpu.memory_space<hbm>> -> memref<3120xi32, #tpu.memory_space<hbm>>
    tpu.enqueue_dma source(%dma_start3A_19 : memref<3120xi32, #tpu.memory_space<hbm>>) target(%dma_start3A_18 : memref<3120xi32, #tpu.memory_space<vmem>>) target_semaphore(%arg14 : memref<!tpu.dma_semaphore, #tpu.memory_space<semaphore_mem>>)
    %dma_start3A_20 = arith.constant 3120 : i32
    %dma_start3A_21 = tpu.memref_slice %arg8[%dma_start3A_20] : memref<3280xi32, #tpu.memory_space<vmem>> -> memref<160xi32, #tpu.memory_space<vmem>>
    %dma_start3A_22 = arith.constant 99840 : i32
    %dma_start3A_23 = tpu.memref_slice %arg4[%dma_start3A_22] : memref<100000xi32, #tpu.memory_space<hbm>> -> memref<160xi32, #tpu.memory_space<hbm>>
    %dma_start3A_24 = arith.constant 3120 : i32
    %dma_start3A_25 = tpu.memref_slice %arg8[%dma_start3A_24] : memref<3280xi32, #tpu.memory_space<vmem>> -> memref<160xi32, #tpu.memory_space<vmem>>
    %dma_start3A_26 = arith.constant 99840 : i32
    %dma_start3A_27 = tpu.memref_slice %arg4[%dma_start3A_26] : memref<100000xi32, #tpu.memory_space<hbm>> -> memref<160xi32, #tpu.memory_space<hbm>>
    tpu.enqueue_dma source(%dma_start3A_27 : memref<160xi32, #tpu.memory_space<hbm>>) target(%dma_start3A_25 : memref<160xi32, #tpu.memory_space<vmem>>) target_semaphore(%arg14 : memref<!tpu.dma_semaphore, #tpu.memory_space<semaphore_mem>>)
    %dma_start3A_28 = arith.constant 3120 : i32
    %dma_start3A_29 = tpu.memref_slice %arg9[%dma_start3A_28] : memref<3280xi32, #tpu.memory_space<vmem>> -> memref<160xi32, #tpu.memory_space<vmem>>
    %dma_start3A_30 = arith.constant 99840 : i32
    %dma_start3A_31 = tpu.memref_slice %arg5[%dma_start3A_30] : memref<100000xi32, #tpu.memory_space<hbm>> -> memref<160xi32, #tpu.memory_space<hbm>>
    %dma_start3A_32 = arith.constant 3120 : i32
    %dma_start3A_33 = tpu.memref_slice %arg9[%dma_start3A_32] : memref<3280xi32, #tpu.memory_space<vmem>> -> memref<160xi32, #tpu.memory_space<vmem>>
    %dma_start3A_34 = arith.constant 99840 : i32
    %dma_start3A_35 = tpu.memref_slice %arg5[%dma_start3A_34] : memref<100000xi32, #tpu.memory_space<hbm>> -> memref<160xi32, #tpu.memory_space<hbm>>
    tpu.enqueue_dma source(%dma_start3A_35 : memref<160xi32, #tpu.memory_space<hbm>>) target(%dma_start3A_33 : memref<160xi32, #tpu.memory_space<vmem>>) target_semaphore(%arg14 : memref<!tpu.dma_semaphore, #tpu.memory_space<semaphore_mem>>)
    %dma_start3A_36 = arith.constant 3120 : i32
    %dma_start3A_37 = tpu.memref_slice %arg10[%dma_start3A_36] : memref<3280xi32, #tpu.memory_space<vmem>> -> memref<160xi32, #tpu.memory_space<vmem>>
    %dma_start3A_38 = arith.constant 99840 : i32
    %dma_start3A_39 = tpu.memref_slice %arg6[%dma_start3A_38] : memref<100000xi32, #tpu.memory_space<hbm>> -> memref<160xi32, #tpu.memory_space<hbm>>
    %dma_start3A_40 = arith.constant 3120 : i32
    %dma_start3A_41 = tpu.memref_slice %arg10[%dma_start3A_40] : memref<3280xi32, #tpu.memory_space<vmem>> -> memref<160xi32, #tpu.memory_space<vmem>>
    %dma_start3A_42 = arith.constant 99840 : i32
    %dma_start3A_43 = tpu.memref_slice %arg6[%dma_start3A_42] : memref<100000xi32, #tpu.memory_space<hbm>> -> memref<160xi32, #tpu.memory_space<hbm>>
    tpu.enqueue_dma source(%dma_start3A_43 : memref<160xi32, #tpu.memory_space<hbm>>) target(%dma_start3A_41 : memref<160xi32, #tpu.memory_space<vmem>>) target_semaphore(%arg14 : memref<!tpu.dma_semaphore, #tpu.memory_space<semaphore_mem>>)
    %dma_start3A_44 = arith.constant 0 : i32
    %dma_start3A_45 = arith.constant 0 : i32
    %dma_start3A_46 = tpu.memref_slice %arg2[%dma_start3A_44, %dma_start3A_45] : memref<1x208xf32, #tpu.memory_space<hbm>> -> memref<1x208xf32, #tpu.memory_space<hbm>>
    %dma_start3A_47 = tpu.memref_squeeze %dma_start3A_46 : memref<1x208xf32, #tpu.memory_space<hbm>> -> memref<208xf32, #tpu.memory_space<hbm>>
    %dma_start3A_48 = arith.constant 0 : i32
    %dma_start3A_49 = tpu.memref_slice %arg2[%dma_start3A_44, %dma_start3A_48] : memref<1x208xf32, #tpu.memory_space<hbm>> -> memref<1x208xf32, #tpu.memory_space<hbm>>
    %dma_start3A_50 = tpu.memref_squeeze %dma_start3A_49 : memref<1x208xf32, #tpu.memory_space<hbm>> -> memref<208xf32, #tpu.memory_space<hbm>>
    tpu.enqueue_dma source(%dma_start3A_50 : memref<208xf32, #tpu.memory_space<hbm>>) target(%arg11 : memref<208xf32, #tpu.memory_space<vmem>>) target_semaphore(%arg15 : memref<!tpu.dma_semaphore, #tpu.memory_space<semaphore_mem>>)
    %dma_start3A_51 = arith.constant 0 : i32
    %dma_start3A_52 = arith.constant 0 : i32
    %dma_start3A_53 = tpu.memref_slice %arg3[%dma_start3A_51, %dma_start3A_52] : memref<1x208xf32, #tpu.memory_space<hbm>> -> memref<1x208xf32, #tpu.memory_space<hbm>>
    %dma_start3A_54 = tpu.memref_squeeze %dma_start3A_53 : memref<1x208xf32, #tpu.memory_space<hbm>> -> memref<208xf32, #tpu.memory_space<hbm>>
    %dma_start3A_55 = arith.constant 0 : i32
    %dma_start3A_56 = tpu.memref_slice %arg3[%dma_start3A_51, %dma_start3A_55] : memref<1x208xf32, #tpu.memory_space<hbm>> -> memref<1x208xf32, #tpu.memory_space<hbm>>
    %dma_start3A_57 = tpu.memref_squeeze %dma_start3A_56 : memref<1x208xf32, #tpu.memory_space<hbm>> -> memref<208xf32, #tpu.memory_space<hbm>>
    tpu.enqueue_dma source(%dma_start3A_57 : memref<208xf32, #tpu.memory_space<hbm>>) target(%arg12 : memref<208xf32, #tpu.memory_space<vmem>>) target_semaphore(%arg15 : memref<!tpu.dma_semaphore, #tpu.memory_space<semaphore_mem>>)
    %broadcast_in_dim3A = arith.constant 0.000000e+00 : f32
    %broadcast_in_dim3A_58 = vector.broadcast %broadcast_in_dim3A : f32 to vector<16xf32>
    %scan3A = arith.constant 0 : i32
    %scan3A_59 = arith.constant 0 : i32
    %scan3A_60 = arith.constant 430 : i32
    %scan3A_61 = arith.addi %scan3A_59, %scan3A_60 : i32
    %scan3A_62 = arith.constant 1 : i32
    scf.for %scan3A_138 = %scan3A_59 to %scan3A_61 step %scan3A_62  : i32 {
      %mul3A_139 = arith.constant 128 : i32
      %mul3A_140 = arith.muli %scan3A_138, %mul3A_139 : i32
      %add3A_141 = arith.constant 0 : i32
      %add3A_142 = arith.addi %mul3A_140, %add3A_141 : i32
      %swap3A = arith.index_cast %add3A_142 : i32 to index
      %swap3A_143 = tpu.vector_load %arg13[%swap3A] {strides = array<i32>} : memref<55040xf32, #tpu.memory_space<vmem>>, vector<16xf32>,
      tpu.vector_store %arg13[%swap3A], %broadcast_in_dim3A_58 {strides = array<i32>} : memref<55040xf32, #tpu.memory_space<vmem>>, vector<16xf32>,
      %mul3A_144 = arith.constant 128 : i32
      %mul3A_145 = arith.muli %scan3A_138, %mul3A_144 : i32
      %add3A_146 = arith.constant 16 : i32
      %add3A_147 = arith.addi %mul3A_145, %add3A_146 : i32
      %swap3A_148 = arith.index_cast %add3A_147 : i32 to index
      %swap3A_149 = tpu.vector_load %arg13[%swap3A_148] {strides = array<i32>} : memref<55040xf32, #tpu.memory_space<vmem>>, vector<16xf32>,
      tpu.vector_store %arg13[%swap3A_148], %broadcast_in_dim3A_58 {strides = array<i32>} : memref<55040xf32, #tpu.memory_space<vmem>>, vector<16xf32>,
      %mul3A_150 = arith.constant 128 : i32
      %mul3A_151 = arith.muli %scan3A_138, %mul3A_150 : i32
      %add3A_152 = arith.constant 32 : i32
      %add3A_153 = arith.addi %mul3A_151, %add3A_152 : i32
      %swap3A_154 = arith.index_cast %add3A_153 : i32 to index
      %swap3A_155 = tpu.vector_load %arg13[%swap3A_154] {strides = array<i32>} : memref<55040xf32, #tpu.memory_space<vmem>>, vector<16xf32>,
      tpu.vector_store %arg13[%swap3A_154], %broadcast_in_dim3A_58 {strides = array<i32>} : memref<55040xf32, #tpu.memory_space<vmem>>, vector<16xf32>,
      %mul3A_156 = arith.constant 128 : i32
      %mul3A_157 = arith.muli %scan3A_138, %mul3A_156 : i32
      %add3A_158 = arith.constant 48 : i32
      %add3A_159 = arith.addi %mul3A_157, %add3A_158 : i32
      %swap3A_160 = arith.index_cast %add3A_159 : i32 to index
      %swap3A_161 = tpu.vector_load %arg13[%swap3A_160] {strides = array<i32>} : memref<55040xf32, #tpu.memory_space<vmem>>, vector<16xf32>,
      tpu.vector_store %arg13[%swap3A_160], %broadcast_in_dim3A_58 {strides = array<i32>} : memref<55040xf32, #tpu.memory_space<vmem>>, vector<16xf32>,
      %mul3A_162 = arith.constant 128 : i32
      %mul3A_163 = arith.muli %scan3A_138, %mul3A_162 : i32
      %add3A_164 = arith.constant 64 : i32
      %add3A_165 = arith.addi %mul3A_163, %add3A_164 : i32
      %swap3A_166 = arith.index_cast %add3A_165 : i32 to index
      %swap3A_167 = tpu.vector_load %arg13[%swap3A_166] {strides = array<i32>} : memref<55040xf32, #tpu.memory_space<vmem>>, vector<16xf32>,
      tpu.vector_store %arg13[%swap3A_166], %broadcast_in_dim3A_58 {strides = array<i32>} : memref<55040xf32, #tpu.memory_space<vmem>>, vector<16xf32>,
      %mul3A_168 = arith.constant 128 : i32
      %mul3A_169 = arith.muli %scan3A_138, %mul3A_168 : i32
      %add3A_170 = arith.constant 80 : i32
      %add3A_171 = arith.addi %mul3A_169, %add3A_170 : i32
      %swap3A_172 = arith.index_cast %add3A_171 : i32 to index
      %swap3A_173 = tpu.vector_load %arg13[%swap3A_172] {strides = array<i32>} : memref<55040xf32, #tpu.memory_space<vmem>>, vector<16xf32>,
      tpu.vector_store %arg13[%swap3A_172], %broadcast_in_dim3A_58 {strides = array<i32>} : memref<55040xf32, #tpu.memory_space<vmem>>, vector<16xf32>,
      %mul3A_174 = arith.constant 128 : i32
      %mul3A_175 = arith.muli %scan3A_138, %mul3A_174 : i32
      %add3A_176 = arith.constant 96 : i32
      %add3A_177 = arith.addi %mul3A_175, %add3A_176 : i32
      %swap3A_178 = arith.index_cast %add3A_177 : i32 to index
      %swap3A_179 = tpu.vector_load %arg13[%swap3A_178] {strides = array<i32>} : memref<55040xf32, #tpu.memory_space<vmem>>, vector<16xf32>,
      tpu.vector_store %arg13[%swap3A_178], %broadcast_in_dim3A_58 {strides = array<i32>} : memref<55040xf32, #tpu.memory_space<vmem>>, vector<16xf32>,
      %mul3A_180 = arith.constant 128 : i32
      %mul3A_181 = arith.muli %scan3A_138, %mul3A_180 : i32
      %add3A_182 = arith.constant 112 : i32
      %add3A_183 = arith.addi %mul3A_181, %add3A_182 : i32
      %swap3A_184 = arith.index_cast %add3A_183 : i32 to index
      %swap3A_185 = tpu.vector_load %arg13[%swap3A_184] {strides = array<i32>} : memref<55040xf32, #tpu.memory_space<vmem>>, vector<16xf32>,
      tpu.vector_store %arg13[%swap3A_184], %broadcast_in_dim3A_58 {strides = array<i32>} : memref<55040xf32, #tpu.memory_space<vmem>>, vector<16xf32>,
    }
    %scan3A_63 = arith.constant 430 : i32
    %dma_wait3A = arith.constant 0 : i32
    %dma_wait3A_64 = tpu.memref_slice %arg8[%dma_wait3A] : memref<3280xi32, #tpu.memory_space<vmem>> -> memref<3120xi32, #tpu.memory_space<vmem>>
    %dma_wait3A_65 = tpu.memref_slice %arg4[%mul3A_2] : memref<100000xi32, #tpu.memory_space<hbm>> -> memref<3120xi32, #tpu.memory_space<hbm>>
    %dma_wait3A_66 = arith.constant 0 : i32
    %dma_wait3A_67 = tpu.memref_slice %arg8[%dma_wait3A_66] : memref<3280xi32, #tpu.memory_space<vmem>> -> memref<3120xi32, #tpu.memory_space<vmem>>
    %dma_wait3A_68 = tpu.memref_slice %arg4[%mul3A_2] : memref<100000xi32, #tpu.memory_space<hbm>> -> memref<3120xi32, #tpu.memory_space<hbm>>
    tpu.wait_dma2 semaphore(%arg14 : memref<!tpu.dma_semaphore, #tpu.memory_space<semaphore_mem>>) src(%dma_wait3A_68 : memref<3120xi32, #tpu.memory_space<hbm>>) dst(%dma_wait3A_67 : memref<3120xi32, #tpu.memory_space<vmem>>)
    %dma_wait3A_69 = arith.constant 0 : i32
    %dma_wait3A_70 = tpu.memref_slice %arg9[%dma_wait3A_69] : memref<3280xi32, #tpu.memory_space<vmem>> -> memref<3120xi32, #tpu.memory_space<vmem>>
    %dma_wait3A_71 = tpu.memref_slice %arg5[%mul3A_2] : memref<100000xi32, #tpu.memory_space<hbm>> -> memref<3120xi32, #tpu.memory_space<hbm>>
    %dma_wait3A_72 = arith.constant 0 : i32
    %dma_wait3A_73 = tpu.memref_slice %arg9[%dma_wait3A_72] : memref<3280xi32, #tpu.memory_space<vmem>> -> memref<3120xi32, #tpu.memory_space<vmem>>
    %dma_wait3A_74 = tpu.memref_slice %arg5[%mul3A_2] : memref<100000xi32, #tpu.memory_space<hbm>> -> memref<3120xi32, #tpu.memory_space<hbm>>
    tpu.wait_dma2 semaphore(%arg14 : memref<!tpu.dma_semaphore, #tpu.memory_space<semaphore_mem>>) src(%dma_wait3A_74 : memref<3120xi32, #tpu.memory_space<hbm>>) dst(%dma_wait3A_73 : memref<3120xi32, #tpu.memory_space<vmem>>)
    %dma_wait3A_75 = arith.constant 0 : i32
    %dma_wait3A_76 = tpu.memref_slice %arg10[%dma_wait3A_75] : memref<3280xi32, #tpu.memory_space<vmem>> -> memref<3120xi32, #tpu.memory_space<vmem>>
    %dma_wait3A_77 = tpu.memref_slice %arg6[%mul3A_2] : memref<100000xi32, #tpu.memory_space<hbm>> -> memref<3120xi32, #tpu.memory_space<hbm>>
    %dma_wait3A_78 = arith.constant 0 : i32
    %dma_wait3A_79 = tpu.memref_slice %arg10[%dma_wait3A_78] : memref<3280xi32, #tpu.memory_space<vmem>> -> memref<3120xi32, #tpu.memory_space<vmem>>
    %dma_wait3A_80 = tpu.memref_slice %arg6[%mul3A_2] : memref<100000xi32, #tpu.memory_space<hbm>> -> memref<3120xi32, #tpu.memory_space<hbm>>
    tpu.wait_dma2 semaphore(%arg14 : memref<!tpu.dma_semaphore, #tpu.memory_space<semaphore_mem>>) src(%dma_wait3A_80 : memref<3120xi32, #tpu.memory_space<hbm>>) dst(%dma_wait3A_79 : memref<3120xi32, #tpu.memory_space<vmem>>)
    %dma_wait3A_81 = arith.constant 3120 : i32
    %dma_wait3A_82 = tpu.memref_slice %arg8[%dma_wait3A_81] : memref<3280xi32, #tpu.memory_space<vmem>> -> memref<160xi32, #tpu.memory_space<vmem>>
    %dma_wait3A_83 = arith.constant 99840 : i32
    %dma_wait3A_84 = tpu.memref_slice %arg4[%dma_wait3A_83] : memref<100000xi32, #tpu.memory_space<hbm>> -> memref<160xi32, #tpu.memory_space<hbm>>
    %dma_wait3A_85 = arith.constant 3120 : i32
    %dma_wait3A_86 = tpu.memref_slice %arg8[%dma_wait3A_85] : memref<3280xi32, #tpu.memory_space<vmem>> -> memref<160xi32, #tpu.memory_space<vmem>>
    %dma_wait3A_87 = arith.constant 99840 : i32
    %dma_wait3A_88 = tpu.memref_slice %arg4[%dma_wait3A_87] : memref<100000xi32, #tpu.memory_space<hbm>> -> memref<160xi32, #tpu.memory_space<hbm>>
    tpu.wait_dma2 semaphore(%arg14 : memref<!tpu.dma_semaphore, #tpu.memory_space<semaphore_mem>>) src(%dma_wait3A_88 : memref<160xi32, #tpu.memory_space<hbm>>) dst(%dma_wait3A_86 : memref<160xi32, #tpu.memory_space<vmem>>)
    %dma_wait3A_89 = arith.constant 3120 : i32
    %dma_wait3A_90 = tpu.memref_slice %arg9[%dma_wait3A_89] : memref<3280xi32, #tpu.memory_space<vmem>> -> memref<160xi32, #tpu.memory_space<vmem>>
    %dma_wait3A_91 = arith.constant 99840 : i32
    %dma_wait3A_92 = tpu.memref_slice %arg5[%dma_wait3A_91] : memref<100000xi32, #tpu.memory_space<hbm>> -> memref<160xi32, #tpu.memory_space<hbm>>
    %dma_wait3A_93 = arith.constant 3120 : i32
    %dma_wait3A_94 = tpu.memref_slice %arg9[%dma_wait3A_93] : memref<3280xi32, #tpu.memory_space<vmem>> -> memref<160xi32, #tpu.memory_space<vmem>>
    %dma_wait3A_95 = arith.constant 99840 : i32
    %dma_wait3A_96 = tpu.memref_slice %arg5[%dma_wait3A_95] : memref<100000xi32, #tpu.memory_space<hbm>> -> memref<160xi32, #tpu.memory_space<hbm>>
    tpu.wait_dma2 semaphore(%arg14 : memref<!tpu.dma_semaphore, #tpu.memory_space<semaphore_mem>>) src(%dma_wait3A_96 : memref<160xi32, #tpu.memory_space<hbm>>) dst(%dma_wait3A_94 : memref<160xi32, #tpu.memory_space<vmem>>)
    %dma_wait3A_97 = arith.constant 3120 : i32
    %dma_wait3A_98 = tpu.memref_slice %arg10[%dma_wait3A_97] : memref<3280xi32, #tpu.memory_space<vmem>> -> memref<160xi32, #tpu.memory_space<vmem>>
    %dma_wait3A_99 = arith.constant 99840 : i32
    %dma_wait3A_100 = tpu.memref_slice %arg6[%dma_wait3A_99] : memref<100000xi32, #tpu.memory_space<hbm>> -> memref<160xi32, #tpu.memory_space<hbm>>
    %dma_wait3A_101 = arith.constant 3120 : i32
    %dma_wait3A_102 = tpu.memref_slice %arg10[%dma_wait3A_101] : memref<3280xi32, #tpu.memory_space<vmem>> -> memref<160xi32, #tpu.memory_space<vmem>>
    %dma_wait3A_103 = arith.constant 99840 : i32
    %dma_wait3A_104 = tpu.memref_slice %arg6[%dma_wait3A_103] : memref<100000xi32, #tpu.memory_space<hbm>> -> memref<160xi32, #tpu.memory_space<hbm>>
    tpu.wait_dma2 semaphore(%arg14 : memref<!tpu.dma_semaphore, #tpu.memory_space<semaphore_mem>>) src(%dma_wait3A_104 : memref<160xi32, #tpu.memory_space<hbm>>) dst(%dma_wait3A_102 : memref<160xi32, #tpu.memory_space<vmem>>)
    %dma_wait3A_105 = arith.constant 0 : i32
    %dma_wait3A_106 = arith.constant 0 : i32
    %dma_wait3A_107 = tpu.memref_slice %arg2[%dma_wait3A_105, %dma_wait3A_106] : memref<1x208xf32, #tpu.memory_space<hbm>> -> memref<1x208xf32, #tpu.memory_space<hbm>>
    %dma_wait3A_108 = tpu.memref_squeeze %dma_wait3A_107 : memref<1x208xf32, #tpu.memory_space<hbm>> -> memref<208xf32, #tpu.memory_space<hbm>>
    %dma_wait3A_109 = arith.constant 0 : i32
    %dma_wait3A_110 = tpu.memref_slice %arg2[%dma_wait3A_105, %dma_wait3A_109] : memref<1x208xf32, #tpu.memory_space<hbm>> -> memref<1x208xf32, #tpu.memory_space<hbm>>
    %dma_wait3A_111 = tpu.memref_squeeze %dma_wait3A_110 : memref<1x208xf32, #tpu.memory_space<hbm>> -> memref<208xf32, #tpu.memory_space<hbm>>
    tpu.wait_dma2 semaphore(%arg15 : memref<!tpu.dma_semaphore, #tpu.memory_space<semaphore_mem>>) src(%dma_wait3A_111 : memref<208xf32, #tpu.memory_space<hbm>>) dst(%arg11 : memref<208xf32, #tpu.memory_space<vmem>>)
    %dma_wait3A_112 = arith.constant 0 : i32
    %dma_wait3A_113 = arith.constant 0 : i32
    %dma_wait3A_114 = tpu.memref_slice %arg3[%dma_wait3A_112, %dma_wait3A_113] : memref<1x208xf32, #tpu.memory_space<hbm>> -> memref<1x208xf32, #tpu.memory_space<hbm>>
    %dma_wait3A_115 = tpu.memref_squeeze %dma_wait3A_114 : memref<1x208xf32, #tpu.memory_space<hbm>> -> memref<208xf32, #tpu.memory_space<hbm>>
    %dma_wait3A_116 = arith.constant 0 : i32
    %dma_wait3A_117 = tpu.memref_slice %arg3[%dma_wait3A_112, %dma_wait3A_116] : memref<1x208xf32, #tpu.memory_space<hbm>> -> memref<1x208xf32, #tpu.memory_space<hbm>>
    %dma_wait3A_118 = tpu.memref_squeeze %dma_wait3A_117 : memref<1x208xf32, #tpu.memory_space<hbm>> -> memref<208xf32, #tpu.memory_space<hbm>>
    tpu.wait_dma2 semaphore(%arg15 : memref<!tpu.dma_semaphore, #tpu.memory_space<semaphore_mem>>) src(%dma_wait3A_118 : memref<208xf32, #tpu.memory_space<hbm>>) dst(%arg12 : memref<208xf32, #tpu.memory_space<vmem>>)
    %scan3A_119 = arith.constant 0 : i32
    %scan3A_120 = arith.constant 0 : i32
    %scan3A_121 = arith.constant 24 : i32
    %scan3A_122 = arith.addi %scan3A_120, %scan3A_121 : i32
    %scan3A_123 = arith.constant 1 : i32
    scf.for %scan3A_138 = %scan3A_120 to %scan3A_122 step %scan3A_123  : i32 {
      %mul3A_139 = arith.constant 128 : i32
      %mul3A_140 = arith.muli %scan3A_138, %mul3A_139 : i32
      %add3A_141 = arith.constant 0 : i32
      %add3A_142 = arith.addi %mul3A_140, %add3A_141 : i32
      %get3A = arith.index_cast %add3A_142 : i32 to index
      %get3A_143 = tpu.vector_load %arg8[%get3A] {strides = array<i32>} : memref<3280xi32, #tpu.memory_space<vmem>>, vector<16xi32>,
      %get3A_144 = arith.index_cast %add3A_142 : i32 to index
      %get3A_145 = tpu.vector_load %arg9[%get3A_144] {strides = array<i32>} : memref<3280xi32, #tpu.memory_space<vmem>>, vector<16xi32>,
      %get3A_146 = arith.index_cast %add3A_142 : i32 to index
      %get3A_147 = tpu.vector_load %arg10[%get3A_146] {strides = array<i32>} : memref<3280xi32, #tpu.memory_space<vmem>>, vector<16xi32>,
      %gather3A = tpu.vector_load_idx %arg11[%get3A_145] : memref<208xf32, #tpu.memory_space<vmem>>[vector<16xi32>], vector<16xf32>,
      %gather3A_148 = tpu.vector_load_idx %arg12[%get3A_145] : memref<208xf32, #tpu.memory_space<vmem>>[vector<16xi32>], vector<16xf32>,
      tpu.vector_store_idx %arg13[%get3A_143], %gather3A {add = true} : memref<55040xf32, #tpu.memory_space<vmem>>[vector<16xi32>], vector<16xf32>,
      %mul3A_149 = arith.constant 5000 : i32
      %mul3A_150 = vector.broadcast %mul3A_149 : i32 to vector<16xi32>
      %mul3A_151 = arith.muli %get3A_147, %mul3A_150 : vector<16xi32>
      %add3A_152 = arith.constant 5008 : i32
      %add3A_153 = vector.broadcast %add3A_152 : i32 to vector<16xi32>
      %add3A_154 = arith.addi %add3A_153, %mul3A_151 : vector<16xi32>
      %add3A_155 = arith.addi %add3A_154, %get3A_143 : vector<16xi32>
      tpu.vector_store_idx %arg13[%add3A_155], %gather3A_148 {add = true} : memref<55040xf32, #tpu.memory_space<vmem>>[vector<16xi32>], vector<16xf32>,
      %mul3A_156 = arith.constant 128 : i32
      %mul3A_157 = arith.muli %scan3A_138, %mul3A_156 : i32
      %add3A_158 = arith.constant 16 : i32
      %add3A_159 = arith.addi %mul3A_157, %add3A_158 : i32
      %get3A_160 = arith.index_cast %add3A_159 : i32 to index
      %get3A_161 = tpu.vector_load %arg8[%get3A_160] {strides = array<i32>} : memref<3280xi32, #tpu.memory_space<vmem>>, vector<16xi32>,
      %get3A_162 = arith.index_cast %add3A_159 : i32 to index
      %get3A_163 = tpu.vector_load %arg9[%get3A_162] {strides = array<i32>} : memref<3280xi32, #tpu.memory_space<vmem>>, vector<16xi32>,
      %get3A_164 = arith.index_cast %add3A_159 : i32 to index
      %get3A_165 = tpu.vector_load %arg10[%get3A_164] {strides = array<i32>} : memref<3280xi32, #tpu.memory_space<vmem>>, vector<16xi32>,
      %gather3A_166 = tpu.vector_load_idx %arg11[%get3A_163] : memref<208xf32, #tpu.memory_space<vmem>>[vector<16xi32>], vector<16xf32>,
      %gather3A_167 = tpu.vector_load_idx %arg12[%get3A_163] : memref<208xf32, #tpu.memory_space<vmem>>[vector<16xi32>], vector<16xf32>,
      tpu.vector_store_idx %arg13[%get3A_161], %gather3A_166 {add = true} : memref<55040xf32, #tpu.memory_space<vmem>>[vector<16xi32>], vector<16xf32>,
      %mul3A_168 = arith.constant 5000 : i32
      %mul3A_169 = vector.broadcast %mul3A_168 : i32 to vector<16xi32>
      %mul3A_170 = arith.muli %get3A_165, %mul3A_169 : vector<16xi32>
      %add3A_171 = arith.constant 5008 : i32
      %add3A_172 = vector.broadcast %add3A_171 : i32 to vector<16xi32>
      %add3A_173 = arith.addi %add3A_172, %mul3A_170 : vector<16xi32>
      %add3A_174 = arith.addi %add3A_173, %get3A_161 : vector<16xi32>
      tpu.vector_store_idx %arg13[%add3A_174], %gather3A_167 {add = true} : memref<55040xf32, #tpu.memory_space<vmem>>[vector<16xi32>], vector<16xf32>,
      %mul3A_175 = arith.constant 128 : i32
      %mul3A_176 = arith.muli %scan3A_138, %mul3A_175 : i32
      %add3A_177 = arith.constant 32 : i32
      %add3A_178 = arith.addi %mul3A_176, %add3A_177 : i32
      %get3A_179 = arith.index_cast %add3A_178 : i32 to index
      %get3A_180 = tpu.vector_load %arg8[%get3A_179] {strides = array<i32>} : memref<3280xi32, #tpu.memory_space<vmem>>, vector<16xi32>,
      %get3A_181 = arith.index_cast %add3A_178 : i32 to index
      %get3A_182 = tpu.vector_load %arg9[%get3A_181] {strides = array<i32>} : memref<3280xi32, #tpu.memory_space<vmem>>, vector<16xi32>,
      %get3A_183 = arith.index_cast %add3A_178 : i32 to index
      %get3A_184 = tpu.vector_load %arg10[%get3A_183] {strides = array<i32>} : memref<3280xi32, #tpu.memory_space<vmem>>, vector<16xi32>,
      %gather3A_185 = tpu.vector_load_idx %arg11[%get3A_182] : memref<208xf32, #tpu.memory_space<vmem>>[vector<16xi32>], vector<16xf32>,
      %gather3A_186 = tpu.vector_load_idx %arg12[%get3A_182] : memref<208xf32, #tpu.memory_space<vmem>>[vector<16xi32>], vector<16xf32>,
      tpu.vector_store_idx %arg13[%get3A_180], %gather3A_185 {add = true} : memref<55040xf32, #tpu.memory_space<vmem>>[vector<16xi32>], vector<16xf32>,
      %mul3A_187 = arith.constant 5000 : i32
      %mul3A_188 = vector.broadcast %mul3A_187 : i32 to vector<16xi32>
      %mul3A_189 = arith.muli %get3A_184, %mul3A_188 : vector<16xi32>
      %add3A_190 = arith.constant 5008 : i32
      %add3A_191 = vector.broadcast %add3A_190 : i32 to vector<16xi32>
      %add3A_192 = arith.addi %add3A_191, %mul3A_189 : vector<16xi32>
      %add3A_193 = arith.addi %add3A_192, %get3A_180 : vector<16xi32>
      tpu.vector_store_idx %arg13[%add3A_193], %gather3A_186 {add = true} : memref<55040xf32, #tpu.memory_space<vmem>>[vector<16xi32>], vector<16xf32>,
      %mul3A_194 = arith.constant 128 : i32
      %mul3A_195 = arith.muli %scan3A_138, %mul3A_194 : i32
      %add3A_196 = arith.constant 48 : i32
      %add3A_197 = arith.addi %mul3A_195, %add3A_196 : i32
      %get3A_198 = arith.index_cast %add3A_197 : i32 to index
      %get3A_199 = tpu.vector_load %arg8[%get3A_198] {strides = array<i32>} : memref<3280xi32, #tpu.memory_space<vmem>>, vector<16xi32>,
      %get3A_200 = arith.index_cast %add3A_197 : i32 to index
      %get3A_201 = tpu.vector_load %arg9[%get3A_200] {strides = array<i32>} : memref<3280xi32, #tpu.memory_space<vmem>>, vector<16xi32>,
      %get3A_202 = arith.index_cast %add3A_197 : i32 to index
      %get3A_203 = tpu.vector_load %arg10[%get3A_202] {strides = array<i32>} : memref<3280xi32, #tpu.memory_space<vmem>>, vector<16xi32>,
      %gather3A_204 = tpu.vector_load_idx %arg11[%get3A_201] : memref<208xf32, #tpu.memory_space<vmem>>[vector<16xi32>], vector<16xf32>,
      %gather3A_205 = tpu.vector_load_idx %arg12[%get3A_201] : memref<208xf32, #tpu.memory_space<vmem>>[vector<16xi32>], vector<16xf32>,
      tpu.vector_store_idx %arg13[%get3A_199], %gather3A_204 {add = true} : memref<55040xf32, #tpu.memory_space<vmem>>[vector<16xi32>], vector<16xf32>,
      %mul3A_206 = arith.constant 5000 : i32
      %mul3A_207 = vector.broadcast %mul3A_206 : i32 to vector<16xi32>
      %mul3A_208 = arith.muli %get3A_203, %mul3A_207 : vector<16xi32>
      %add3A_209 = arith.constant 5008 : i32
      %add3A_210 = vector.broadcast %add3A_209 : i32 to vector<16xi32>
      %add3A_211 = arith.addi %add3A_210, %mul3A_208 : vector<16xi32>
      %add3A_212 = arith.addi %add3A_211, %get3A_199 : vector<16xi32>
      tpu.vector_store_idx %arg13[%add3A_212], %gather3A_205 {add = true} : memref<55040xf32, #tpu.memory_space<vmem>>[vector<16xi32>], vector<16xf32>,
      %mul3A_213 = arith.constant 128 : i32
      %mul3A_214 = arith.muli %scan3A_138, %mul3A_213 : i32
      %add3A_215 = arith.constant 64 : i32
      %add3A_216 = arith.addi %mul3A_214, %add3A_215 : i32
      %get3A_217 = arith.index_cast %add3A_216 : i32 to index
      %get3A_218 = tpu.vector_load %arg8[%get3A_217] {strides = array<i32>} : memref<3280xi32, #tpu.memory_space<vmem>>, vector<16xi32>,
      %get3A_219 = arith.index_cast %add3A_216 : i32 to index
      %get3A_220 = tpu.vector_load %arg9[%get3A_219] {strides = array<i32>} : memref<3280xi32, #tpu.memory_space<vmem>>, vector<16xi32>,
      %get3A_221 = arith.index_cast %add3A_216 : i32 to index
      %get3A_222 = tpu.vector_load %arg10[%get3A_221] {strides = array<i32>} : memref<3280xi32, #tpu.memory_space<vmem>>, vector<16xi32>,
      %gather3A_223 = tpu.vector_load_idx %arg11[%get3A_220] : memref<208xf32, #tpu.memory_space<vmem>>[vector<16xi32>], vector<16xf32>,
      %gather3A_224 = tpu.vector_load_idx %arg12[%get3A_220] : memref<208xf32, #tpu.memory_space<vmem>>[vector<16xi32>], vector<16xf32>,
      tpu.vector_store_idx %arg13[%get3A_218], %gather3A_223 {add = true} : memref<55040xf32, #tpu.memory_space<vmem>>[vector<16xi32>], vector<16xf32>,
      %mul3A_225 = arith.constant 5000 : i32
      %mul3A_226 = vector.broadcast %mul3A_225 : i32 to vector<16xi32>
      %mul3A_227 = arith.muli %get3A_222, %mul3A_226 : vector<16xi32>
      %add3A_228 = arith.constant 5008 : i32
      %add3A_229 = vector.broadcast %add3A_228 : i32 to vector<16xi32>
      %add3A_230 = arith.addi %add3A_229, %mul3A_227 : vector<16xi32>
      %add3A_231 = arith.addi %add3A_230, %get3A_218 : vector<16xi32>
      tpu.vector_store_idx %arg13[%add3A_231], %gather3A_224 {add = true} : memref<55040xf32, #tpu.memory_space<vmem>>[vector<16xi32>], vector<16xf32>,
      %mul3A_232 = arith.constant 128 : i32
      %mul3A_233 = arith.muli %scan3A_138, %mul3A_232 : i32
      %add3A_234 = arith.constant 80 : i32
      %add3A_235 = arith.addi %mul3A_233, %add3A_234 : i32
      %get3A_236 = arith.index_cast %add3A_235 : i32 to index
      %get3A_237 = tpu.vector_load %arg8[%get3A_236] {strides = array<i32>} : memref<3280xi32, #tpu.memory_space<vmem>>, vector<16xi32>,
      %get3A_238 = arith.index_cast %add3A_235 : i32 to index
      %get3A_239 = tpu.vector_load %arg9[%get3A_238] {strides = array<i32>} : memref<3280xi32, #tpu.memory_space<vmem>>, vector<16xi32>,
      %get3A_240 = arith.index_cast %add3A_235 : i32 to index
      %get3A_241 = tpu.vector_load %arg10[%get3A_240] {strides = array<i32>} : memref<3280xi32, #tpu.memory_space<vmem>>, vector<16xi32>,
      %gather3A_242 = tpu.vector_load_idx %arg11[%get3A_239] : memref<208xf32, #tpu.memory_space<vmem>>[vector<16xi32>], vector<16xf32>,
      %gather3A_243 = tpu.vector_load_idx %arg12[%get3A_239] : memref<208xf32, #tpu.memory_space<vmem>>[vector<16xi32>], vector<16xf32>,
      tpu.vector_store_idx %arg13[%get3A_237], %gather3A_242 {add = true} : memref<55040xf32, #tpu.memory_space<vmem>>[vector<16xi32>], vector<16xf32>,
      %mul3A_244 = arith.constant 5000 : i32
      %mul3A_245 = vector.broadcast %mul3A_244 : i32 to vector<16xi32>
      %mul3A_246 = arith.muli %get3A_241, %mul3A_245 : vector<16xi32>
      %add3A_247 = arith.constant 5008 : i32
      %add3A_248 = vector.broadcast %add3A_247 : i32 to vector<16xi32>
      %add3A_249 = arith.addi %add3A_248, %mul3A_246 : vector<16xi32>
      %add3A_250 = arith.addi %add3A_249, %get3A_237 : vector<16xi32>
      tpu.vector_store_idx %arg13[%add3A_250], %gather3A_243 {add = true} : memref<55040xf32, #tpu.memory_space<vmem>>[vector<16xi32>], vector<16xf32>,
      %mul3A_251 = arith.constant 128 : i32
      %mul3A_252 = arith.muli %scan3A_138, %mul3A_251 : i32
      %add3A_253 = arith.constant 96 : i32
      %add3A_254 = arith.addi %mul3A_252, %add3A_253 : i32
      %get3A_255 = arith.index_cast %add3A_254 : i32 to index
      %get3A_256 = tpu.vector_load %arg8[%get3A_255] {strides = array<i32>} : memref<3280xi32, #tpu.memory_space<vmem>>, vector<16xi32>,
      %get3A_257 = arith.index_cast %add3A_254 : i32 to index
      %get3A_258 = tpu.vector_load %arg9[%get3A_257] {strides = array<i32>} : memref<3280xi32, #tpu.memory_space<vmem>>, vector<16xi32>,
      %get3A_259 = arith.index_cast %add3A_254 : i32 to index
      %get3A_260 = tpu.vector_load %arg10[%get3A_259] {strides = array<i32>} : memref<3280xi32, #tpu.memory_space<vmem>>, vector<16xi32>,
      %gather3A_261 = tpu.vector_load_idx %arg11[%get3A_258] : memref<208xf32, #tpu.memory_space<vmem>>[vector<16xi32>], vector<16xf32>,
      %gather3A_262 = tpu.vector_load_idx %arg12[%get3A_258] : memref<208xf32, #tpu.memory_space<vmem>>[vector<16xi32>], vector<16xf32>,
      tpu.vector_store_idx %arg13[%get3A_256], %gather3A_261 {add = true} : memref<55040xf32, #tpu.memory_space<vmem>>[vector<16xi32>], vector<16xf32>,
      %mul3A_263 = arith.constant 5000 : i32
      %mul3A_264 = vector.broadcast %mul3A_263 : i32 to vector<16xi32>
      %mul3A_265 = arith.muli %get3A_260, %mul3A_264 : vector<16xi32>
      %add3A_266 = arith.constant 5008 : i32
      %add3A_267 = vector.broadcast %add3A_266 : i32 to vector<16xi32>
      %add3A_268 = arith.addi %add3A_267, %mul3A_265 : vector<16xi32>
      %add3A_269 = arith.addi %add3A_268, %get3A_256 : vector<16xi32>
      tpu.vector_store_idx %arg13[%add3A_269], %gather3A_262 {add = true} : memref<55040xf32, #tpu.memory_space<vmem>>[vector<16xi32>], vector<16xf32>,
      %mul3A_270 = arith.constant 128 : i32
      %mul3A_271 = arith.muli %scan3A_138, %mul3A_270 : i32
      %add3A_272 = arith.constant 112 : i32
      %add3A_273 = arith.addi %mul3A_271, %add3A_272 : i32
      %get3A_274 = arith.index_cast %add3A_273 : i32 to index
      %get3A_275 = tpu.vector_load %arg8[%get3A_274] {strides = array<i32>} : memref<3280xi32, #tpu.memory_space<vmem>>, vector<16xi32>,
      %get3A_276 = arith.index_cast %add3A_273 : i32 to index
      %get3A_277 = tpu.vector_load %arg9[%get3A_276] {strides = array<i32>} : memref<3280xi32, #tpu.memory_space<vmem>>, vector<16xi32>,
      %get3A_278 = arith.index_cast %add3A_273 : i32 to index
      %get3A_279 = tpu.vector_load %arg10[%get3A_278] {strides = array<i32>} : memref<3280xi32, #tpu.memory_space<vmem>>, vector<16xi32>,
      %gather3A_280 = tpu.vector_load_idx %arg11[%get3A_277] : memref<208xf32, #tpu.memory_space<vmem>>[vector<16xi32>], vector<16xf32>,
      %gather3A_281 = tpu.vector_load_idx %arg12[%get3A_277] : memref<208xf32, #tpu.memory_space<vmem>>[vector<16xi32>], vector<16xf32>,
      tpu.vector_store_idx %arg13[%get3A_275], %gather3A_280 {add = true} : memref<55040xf32, #tpu.memory_space<vmem>>[vector<16xi32>], vector<16xf32>,
      %mul3A_282 = arith.constant 5000 : i32
      %mul3A_283 = vector.broadcast %mul3A_282 : i32 to vector<16xi32>
      %mul3A_284 = arith.muli %get3A_279, %mul3A_283 : vector<16xi32>
      %add3A_285 = arith.constant 5008 : i32
      %add3A_286 = vector.broadcast %add3A_285 : i32 to vector<16xi32>
      %add3A_287 = arith.addi %add3A_286, %mul3A_284 : vector<16xi32>
      %add3A_288 = arith.addi %add3A_287, %get3A_275 : vector<16xi32>
      tpu.vector_store_idx %arg13[%add3A_288], %gather3A_281 {add = true} : memref<55040xf32, #tpu.memory_space<vmem>>[vector<16xi32>], vector<16xf32>,
    }
    %scan3A_124 = arith.constant 24 : i32
    %eq3A = arith.constant 31 : i32
    %eq3A_125 = arith.cmpi eq, %add3A, %eq3A : i32
    %jit3A = arith.constant 10 : i32
    %jit3A_126 = arith.constant 0 : i32
    %select_n3A = arith.select %eq3A_125, %jit3A, %jit3A_126 : i32
    %add3A_127 = arith.constant 3 : i32
    %add3A_128 = arith.addi %add3A_127, %select_n3A : i32
    %while3A = arith.constant 0 : i32
    %while3A_129 = arith.constant 0 : i32
    %while3A_130 = arith.subi %add3A_128, %while3A_129 : i32
    %while3A_131 = arith.addi %while3A_129, %while3A_130 : i32
    %while3A_132 = arith.constant 1 : i32
    %while3A_133 = arith.divsi %while3A_130, %while3A_132 : i32
    %while3A_134 = arith.muli %while3A_133, %while3A_132 : i32
    %while3A_135 = arith.addi %while3A_129, %while3A_134 : i32
    %while3A_136 = arith.constant 1 : i32
    scf.for %while3A_138 = %while3A_129 to %while3A_135 step %while3A_136  : i32 {
      %mul3A_139 = arith.constant 16 : i32
      %mul3A_140 = arith.muli %while3A_138, %mul3A_139 : i32
      %add3A_141 = arith.constant 3072 : i32
      %add3A_142 = arith.addi %add3A_141, %mul3A_140 : i32
      %get3A = arith.index_cast %add3A_142 : i32 to index
      %get3A_143 = tpu.vector_load %arg8[%get3A] {strides = array<i32>} : memref<3280xi32, #tpu.memory_space<vmem>>, vector<16xi32>,
      %get3A_144 = arith.index_cast %add3A_142 : i32 to index
      %get3A_145 = tpu.vector_load %arg9[%get3A_144] {strides = array<i32>} : memref<3280xi32, #tpu.memory_space<vmem>>, vector<16xi32>,
      %get3A_146 = arith.index_cast %add3A_142 : i32 to index
      %get3A_147 = tpu.vector_load %arg10[%get3A_146] {strides = array<i32>} : memref<3280xi32, #tpu.memory_space<vmem>>, vector<16xi32>,
      %gather3A = tpu.vector_load_idx %arg11[%get3A_145] : memref<208xf32, #tpu.memory_space<vmem>>[vector<16xi32>], vector<16xf32>,
      %gather3A_148 = tpu.vector_load_idx %arg12[%get3A_145] : memref<208xf32, #tpu.memory_space<vmem>>[vector<16xi32>], vector<16xf32>,
      tpu.vector_store_idx %arg13[%get3A_143], %gather3A {add = true} : memref<55040xf32, #tpu.memory_space<vmem>>[vector<16xi32>], vector<16xf32>,
      %mul3A_149 = arith.constant 5000 : i32
      %mul3A_150 = vector.broadcast %mul3A_149 : i32 to vector<16xi32>
      %mul3A_151 = arith.muli %get3A_147, %mul3A_150 : vector<16xi32>
      %add3A_152 = arith.constant 5008 : i32
      %add3A_153 = vector.broadcast %add3A_152 : i32 to vector<16xi32>
      %add3A_154 = arith.addi %add3A_153, %mul3A_151 : vector<16xi32>
      %add3A_155 = arith.addi %add3A_154, %get3A_143 : vector<16xi32>
      tpu.vector_store_idx %arg13[%add3A_155], %gather3A_148 {add = true} : memref<55040xf32, #tpu.memory_space<vmem>>[vector<16xi32>], vector<16xf32>,
    }
    %while3A_137 = arith.constant 1 : i32
    scf.for %while3A_138 = %while3A_135 to %while3A_131 step %while3A_137  : i32 {
      %mul3A_139 = arith.constant 16 : i32
      %mul3A_140 = arith.muli %while3A_138, %mul3A_139 : i32
      %add3A_141 = arith.constant 3072 : i32
      %add3A_142 = arith.addi %add3A_141, %mul3A_140 : i32
      %get3A = arith.index_cast %add3A_142 : i32 to index
      %get3A_143 = tpu.vector_load %arg8[%get3A] {strides = array<i32>} : memref<3280xi32, #tpu.memory_space<vmem>>, vector<16xi32>,
      %get3A_144 = arith.index_cast %add3A_142 : i32 to index
      %get3A_145 = tpu.vector_load %arg9[%get3A_144] {strides = array<i32>} : memref<3280xi32, #tpu.memory_space<vmem>>, vector<16xi32>,
      %get3A_146 = arith.index_cast %add3A_142 : i32 to index
      %get3A_147 = tpu.vector_load %arg10[%get3A_146] {strides = array<i32>} : memref<3280xi32, #tpu.memory_space<vmem>>, vector<16xi32>,
      %gather3A = tpu.vector_load_idx %arg11[%get3A_145] : memref<208xf32, #tpu.memory_space<vmem>>[vector<16xi32>], vector<16xf32>,
      %gather3A_148 = tpu.vector_load_idx %arg12[%get3A_145] : memref<208xf32, #tpu.memory_space<vmem>>[vector<16xi32>], vector<16xf32>,
      tpu.vector_store_idx %arg13[%get3A_143], %gather3A {add = true} : memref<55040xf32, #tpu.memory_space<vmem>>[vector<16xi32>], vector<16xf32>,
      %mul3A_149 = arith.constant 5000 : i32
      %mul3A_150 = vector.broadcast %mul3A_149 : i32 to vector<16xi32>
      %mul3A_151 = arith.muli %get3A_147, %mul3A_150 : vector<16xi32>
      %add3A_152 = arith.constant 5008 : i32
      %add3A_153 = vector.broadcast %add3A_152 : i32 to vector<16xi32>
      %add3A_154 = arith.addi %add3A_153, %mul3A_151 : vector<16xi32>
      %add3A_155 = arith.addi %add3A_154, %get3A_143 : vector<16xi32>
      tpu.vector_store_idx %arg13[%add3A_155], %gather3A_148 {add = true} : memref<55040xf32, #tpu.memory_space<vmem>>[vector<16xi32>], vector<16xf32>,
    }
    "tpu.region"() ({
      %run_scoped3A = tpu.sem_alloc : memref<!tpu.dma_semaphore, #tpu.memory_space<semaphore_mem>>
      %dma_start3A_138 = arith.constant 0 : i32
      %dma_start3A_139 = tpu.memref_slice %arg7[%add3A, %dma_start3A_138] : memref<32x55040xf32, #tpu.memory_space<hbm>> -> memref<1x55040xf32, #tpu.memory_space<hbm>>
      %dma_start3A_140 = tpu.memref_squeeze %dma_start3A_139 : memref<1x55040xf32, #tpu.memory_space<hbm>> -> memref<55040xf32, #tpu.memory_space<hbm>>
      %dma_start3A_141 = arith.constant 0 : i32
      %dma_start3A_142 = tpu.memref_slice %arg7[%add3A, %dma_start3A_141] : memref<32x55040xf32, #tpu.memory_space<hbm>> -> memref<1x55040xf32, #tpu.memory_space<hbm>>
      %dma_start3A_143 = tpu.memref_squeeze %dma_start3A_142 : memref<1x55040xf32, #tpu.memory_space<hbm>> -> memref<55040xf32, #tpu.memory_space<hbm>>
      tpu.enqueue_dma source(%arg13 : memref<55040xf32, #tpu.memory_space<vmem>>) target(%dma_start3A_143 : memref<55040xf32, #tpu.memory_space<hbm>>) target_semaphore(%run_scoped3A : memref<!tpu.dma_semaphore, #tpu.memory_space<semaphore_mem>>)
      %dma_wait3A_144 = arith.constant 0 : i32
      %dma_wait3A_145 = tpu.memref_slice %arg7[%add3A, %dma_wait3A_144] : memref<32x55040xf32, #tpu.memory_space<hbm>> -> memref<1x55040xf32, #tpu.memory_space<hbm>>
      %dma_wait3A_146 = tpu.memref_squeeze %dma_wait3A_145 : memref<1x55040xf32, #tpu.memory_space<hbm>> -> memref<55040xf32, #tpu.memory_space<hbm>>
      %dma_wait3A_147 = arith.constant 0 : i32
      %dma_wait3A_148 = tpu.memref_slice %arg7[%add3A, %dma_wait3A_147] : memref<32x55040xf32, #tpu.memory_space<hbm>> -> memref<1x55040xf32, #tpu.memory_space<hbm>>
      %dma_wait3A_149 = tpu.memref_squeeze %dma_wait3A_148 : memref<1x55040xf32, #tpu.memory_space<hbm>> -> memref<55040xf32, #tpu.memory_space<hbm>>
      tpu.wait_dma2 semaphore(%run_scoped3A : memref<!tpu.dma_semaphore, #tpu.memory_space<semaphore_mem>>) src(%arg13 : memref<55040xf32, #tpu.memory_space<vmem>>) dst(%dma_wait3A_149 : memref<55040xf32, #tpu.memory_space<hbm>>)
      tpu.yield
    }) : () -> ()
    return
  }
}

module attributes {stable_mosaic.version = 14 : i64} {
  func.func @_tables_body(%arg0: memref<1x208xf32, #tpu.memory_space<vmem>>, %arg1: memref<1x208xf32, #tpu.memory_space<vmem>>, %arg2: memref<1x208xf32, #tpu.memory_space<vmem>>) attributes {dimension_semantics = [], scalar_prefetch = 0 : i64, scratch_operands = 0 : i64, tpu.core_type = #tpu.core_type<tc>} {
    %get3A = arith.constant 0 : index
    %get3A_0 = arith.constant 0 : index
    %get3A_1 = vector.load %arg0[%get3A, %get3A_0] : memref<1x208xf32, #tpu.memory_space<vmem>>, vector<1x208xf32>
    %iota3A = tpu.iota {dimensions = array<i32: 1>} : vector<1x208xi32>
    %lt3A = arith.constant 200 : i32
    %lt3A_2 = vector.broadcast %lt3A : i32 to vector<1x208xi32>
    %lt3A_3 = arith.cmpi slt, %iota3A, %lt3A_2 : vector<1x208xi32>
    %neg3A = arith.constant 0.000000e+00 : f32
    %neg3A_4 = vector.broadcast %neg3A : f32 to vector<1x208xf32>
    %neg3A_5 = arith.subf %neg3A_4, %get3A_1 : vector<1x208xf32>
    %logistic3A = arith.negf %neg3A_5 : vector<1x208xf32>
    %logistic3A_6 = math.exp %logistic3A : vector<1x208xf32>
    %logistic3A_7 = arith.constant 1.000000e+00 : f32
    %logistic3A_8 = vector.broadcast %logistic3A_7 : f32 to vector<1x208xf32>
    %logistic3A_9 = arith.addf %logistic3A_8, %logistic3A_6 : vector<1x208xf32>
    %logistic3A_10 = arith.divf %logistic3A_8, %logistic3A_9 : vector<1x208xf32>
    %sub3A = arith.constant 1.000000e+00 : f32
    %sub3A_11 = vector.broadcast %sub3A : f32 to vector<1x208xf32>
    %sub3A_12 = arith.subf %sub3A_11, %logistic3A_10 : vector<1x208xf32>
    %mul3A = arith.constant 1.000000e-01 : f32
    %mul3A_13 = vector.broadcast %mul3A : f32 to vector<1x208xf32>
    %mul3A_14 = arith.mulf %logistic3A_10, %mul3A_13 : vector<1x208xf32>
    %log3A = math.log %mul3A_14 : vector<1x208xf32>
    %mul3A_15 = arith.constant 1.000000e-01 : f32
    %mul3A_16 = vector.broadcast %mul3A_15 : f32 to vector<1x208xf32>
    %mul3A_17 = arith.mulf %logistic3A_10, %mul3A_16 : vector<1x208xf32>
    %add3A = arith.addf %sub3A_12, %mul3A_17 : vector<1x208xf32>
    %log3A_18 = math.log %add3A : vector<1x208xf32>
    %jit3A = arith.constant 0.000000e+00 : f32
    %broadcast_in_dim3A = vector.broadcast %jit3A : f32 to vector<1x208xf32>
    %select_n3A = arith.select %lt3A_3, %log3A, %broadcast_in_dim3A : vector<1x208xi1>, vector<1x208xf32>
    %swap3A = arith.constant 0 : index
    %swap3A_19 = arith.constant 0 : index
    %swap3A_20 = vector.load %arg1[%swap3A, %swap3A_19] : memref<1x208xf32, #tpu.memory_space<vmem>>, vector<1x208xf32>
    tpu.vector_store %arg1[%swap3A, %swap3A_19], %select_n3A {strides = array<i32>} : memref<1x208xf32, #tpu.memory_space<vmem>>, vector<1x208xf32>,
    %sub3A_21 = arith.subf %log3A_18, %log3A : vector<1x208xf32>
    %jit3A_22 = arith.constant 0.000000e+00 : f32
    %broadcast_in_dim3A_23 = vector.broadcast %jit3A_22 : f32 to vector<1x208xf32>
    %select_n3A_24 = arith.select %lt3A_3, %sub3A_21, %broadcast_in_dim3A_23 : vector<1x208xi1>, vector<1x208xf32>
    %swap3A_25 = arith.constant 0 : index
    %swap3A_26 = arith.constant 0 : index
    %swap3A_27 = vector.load %arg2[%swap3A_25, %swap3A_26] : memref<1x208xf32, #tpu.memory_space<vmem>>, vector<1x208xf32>
    tpu.vector_store %arg2[%swap3A_25, %swap3A_26], %select_n3A_24 {strides = array<i32>} : memref<1x208xf32, #tpu.memory_space<vmem>>, vector<1x208xf32>,
    return
  }
}

module attributes {stable_mosaic.version = 14 : i64} {
  func.func @_reduce_body(%arg0: memref<32x55040xf32, #tpu.memory_space<vmem>>, %arg1: memref<55040xf32, #tpu.memory_space<vmem>>) attributes {dimension_semantics = [], scalar_prefetch = 0 : i64, scratch_operands = 0 : i64, tpu.core_type = #tpu.core_type<tc>} {
    %get3A = arith.constant 0 : index
    %get3A_0 = arith.constant 0 : index
    %get3A_1 = vector.load %arg0[%get3A, %get3A_0] : memref<32x55040xf32, #tpu.memory_space<vmem>>, vector<32x55040xf32>
    %reduce_sum3A = arith.constant dense<0.000000e+00> : vector<55040xf32>
    %reduce_sum3A_2 = vector.multi_reduction <add>, %get3A_1, %reduce_sum3A [0] : vector<32x55040xf32> to vector<55040xf32>
    %swap3A = arith.constant 0 : index
    %swap3A_3 = vector.load %arg1[%swap3A] : memref<55040xf32, #tpu.memory_space<vmem>>, vector<55040xf32>
    tpu.vector_store %arg1[%swap3A], %reduce_sum3A_2 {strides = array<i32>} : memref<55040xf32, #tpu.memory_space<vmem>>, vector<55040xf32>,
    return
  }
}

module attributes {stable_mosaic.version = 14 : i64} {
  func.func @_final_body(%arg0: memref<1x5000xf32, #tpu.memory_space<vmem>>, %arg1: memref<10x5000xf32, #tpu.memory_space<vmem>>, %arg2: memref<10x5000xf32, #tpu.memory_space<vmem>>, %arg3: memref<1x5000xf32, #tpu.memory_space<vmem>>) attributes {dimension_semantics = [], scalar_prefetch = 0 : i64, scratch_operands = 0 : i64, tpu.core_type = #tpu.core_type<tc>} {
    %get3A = arith.constant 0 : index
    %get3A_0 = arith.constant 0 : index
    %get3A_1 = vector.load %arg1[%get3A, %get3A_0] : memref<10x5000xf32, #tpu.memory_space<vmem>>, vector<10x5000xf32>
    %get3A_2 = arith.constant 0 : index
    %get3A_3 = arith.constant 0 : index
    %get3A_4 = vector.load %arg0[%get3A_2, %get3A_3] : memref<1x5000xf32, #tpu.memory_space<vmem>>, vector<1x5000xf32>
    %reduce_max3A = arith.constant dense<0xFF800000> : vector<5000xf32>
    %reduce_max3A_5 = vector.multi_reduction <maximumf>, %get3A_1, %reduce_max3A [0] : vector<10x5000xf32> to vector<5000xf32>
    %broadcast_in_dim3A = vector.shape_cast %reduce_max3A_5 : vector<5000xf32> to vector<1x5000xf32>
    %sub3A = vector.broadcast %broadcast_in_dim3A : vector<1x5000xf32> to vector<10x5000xf32>
    %sub3A_6 = arith.subf %get3A_1, %sub3A : vector<10x5000xf32>
    %exp3A = math.exp %sub3A_6 : vector<10x5000xf32>
    %reduce_sum3A = arith.constant dense<0.000000e+00> : vector<5000xf32>
    %reduce_sum3A_7 = vector.multi_reduction <add>, %exp3A, %reduce_sum3A [0] : vector<10x5000xf32> to vector<5000xf32>
    %broadcast_in_dim3A_8 = vector.shape_cast %reduce_sum3A_7 : vector<5000xf32> to vector<1x5000xf32>
    %div3A = vector.broadcast %broadcast_in_dim3A_8 : vector<1x5000xf32> to vector<10x5000xf32>
    %div3A_9 = arith.divf %exp3A, %div3A : vector<10x5000xf32>
    %swap3A = arith.constant 0 : index
    %swap3A_10 = arith.constant 0 : index
    %swap3A_11 = vector.load %arg2[%swap3A, %swap3A_10] : memref<10x5000xf32, #tpu.memory_space<vmem>>, vector<10x5000xf32>
    tpu.vector_store %arg2[%swap3A, %swap3A_10], %div3A_9 {strides = array<i32>} : memref<10x5000xf32, #tpu.memory_space<vmem>>, vector<10x5000xf32>,
    %add3A = arith.addf %get3A_4, %broadcast_in_dim3A : vector<1x5000xf32>
    %log3A = math.log %broadcast_in_dim3A_8 : vector<1x5000xf32>
    %add3A_12 = arith.addf %add3A, %log3A : vector<1x5000xf32>
    %swap3A_13 = arith.constant 0 : index
    %swap3A_14 = arith.constant 0 : index
    %swap3A_15 = vector.load %arg3[%swap3A_13, %swap3A_14] : memref<1x5000xf32, #tpu.memory_space<vmem>>, vector<1x5000xf32>
    tpu.vector_store %arg3[%swap3A_13, %swap3A_14], %add3A_12 {strides = array<i32>} : memref<1x5000xf32, #tpu.memory_space<vmem>>, vector<1x5000xf32>,
    return
  }
}

</mosaic_0001>

<sc_bundles>
// kernel: kernel.6.cloned.1.call-start
scs
__scs_entry_jumppad:
0x0: {  	(pc) =	sbr.rel $0x88, $3  }
0x1: {  	(tag) =	ssettag $0x0;
	lr =	simm.s32 $0x1  }
0x2: {  	[smem:$0x3F9D] =	sst lr;
	_ =	strace $0xD0000000  }
0x3: {  	_ = 	snop  }
0x4: {  	_ = 	snop  }
0x5: {  	_ = 	snop  }
0x6: {  	_ = 	snop  }
0x7: {  	_ = 	snop  }
__scs_overlays_trampoline_lowered:
0x8: {  	[smem:$0x3FAC] =	sst s0  }
0x9: {  	[smem:$0x3FAD] =	sst s1  }
0xa: {  	[smem:$0x3FAE] =	sst s2  }
0xb: {  	[smem:$0x3FAF] =	sst s3  }
0xc: {  	[smem:$0x3FB0] =	sst s4  }
0xd: {  	[smem:$0x3FB1] =	sst s5  }
0xe: {  	[smem:$0x3FB2] =	sst s6  }
0xf: {  	[smem:$0x3FB3] =	sst s7  }
0x10: {  	[smem:$0x3FB4] =	sst s8  }
0x11: {  	[smem:$0x3FB5] =	sst s9;
	s0 =	simm.s32 @!p0 $0x0  }
0x12: {  	s1 =	sld [smem:$0x3F9B];
	s0 =	simm.s32 @p0 $0x1  }
0x13: {  	[smem:$0x3FB6] =	sst s0;
	s0 =	simm.s32 @!p1 $0x0  }
0x14: {  	s2 =	sld [smem:$0x3F9A];
	s0 =	simm.s32 @p1 $0x1  }
0x15: {  	[smem:$0x3FB7] =	sst s0;
	s0 =	simm.s32 @!p2 $0x0  }
0x16: {  	s3 =	sld [smem:$0x3FDB];
	s0 =	simm.s32 @p2 $0x1  }
0x17: {  	s4 =	simm.s32 $0x1BF5;
	[smem:$0x3FB9] =	sst s0  }
0x18: {  	s0 =	sld [smem:$0x3F9C];
	_ =	swait.ge [sflag:s4], $0x0  }
0x19: {  	s7 =	sld [smem:$0x3F9D]  }
0x1a: {  	s8 =	sadd.s32 $0xFFFFE003, lr  }
0x1b: {  	s9 =	sadd.s32 $0xFFFFFEF7, lr;
	s5 =	simm.s32 $0xFFFFFFFF;
	p2 =	slt.u32 s8, $0xFFFFF086  }
0x1c: {  	p1 =	slt.u32 s9, $0xF7A;
	s5 =	simm.s32 @!p2 $0x0  }
0x1d: {  	s5 =	simm.s32 @p1 $0x1;
	p0 =	seq.s32 s7, s2  }
0x1e: {  	s7 =	smul.u32 @!p0 $0xF7A, s2;
	p2 =	seq.s32 @!p0 s5, $0x0  }
0x1f: {  	s9 =	smul.u32 $0xF7A, s1;
	s8 =	simm.s32 @!p0 $0x1BF5;
	p2 =	por !p2, p0  }
0x20: {  	[sflag:s8] =	ssyncset.s32 @!p0 $0xFFFFF086;
	s6 =	sadd.s32 @!p0 s3, s7;
	s7 =	simm.s32 @!p0 $0x108  }
0x21: {  	s3 =	sadd.s32 s3, s9;
	s6 =	sadd.s32 @!p0 $0x88, s6;
	s7 =	simm.s32 @p2 $0x1082  }
0x22: {  	[simem:s7], [sflag:s8] =	dma.local @!p0 [hbm:s6], $0xF7A  }
0x23: {  	s9 =	sor.u32 $0xD0000000, s2;
	s6 =	simm.s32 $0x108;
	_ =	swait.ge @!p0 [sflag:s8], $0x0  }
0x24: {  	s3 =	sadd.s32 $0x88, s3;
	s6 =	simm.s32 @!p1 $0x1082;
	[sflag:s4] =	ssyncset.s32 $0xFFFFF086  }
0x25: {  	[simem:s6], [sflag:s4] =	dma.local [hbm:s3], $0xF7A  }
0x26: {  	[smem:$0x3F9D] =	sst s1;
	(tag) =	ssettag s2;
	_ =	strace s9  }
0x27: {  	s1 =	sld [smem:$0x3FAD]  }
0x28: {  	s2 =	sld [smem:$0x3FAE]  }
0x29: {  	s4 =	sld [smem:$0x3FB0]  }
0x2a: {  	p0 =	seq.s32 s5, $0x0;
	s5 =	sld [smem:$0x3FB1]  }
0x2b: {  	s6 =	sld [smem:$0x3FB2]  }
0x2c: {  	s7 =	sld [smem:$0x3FB3]  }
0x2d: {  	s3 =	simm.s32 $0x108;
	s8 =	sld [smem:$0x3FB4]  }
0x2e: {  	s3 =	simm.s32 @!p0 $0x1082;
	s9 =	sld [smem:$0x3FB5]  }
0x2f: {  	lr =	sadd.s32 s0, s3;
	s0 =	sld [smem:$0x3FAC]  }
0x30: {  	s3 =	sld [smem:$0x3FAF]  }
0x31: {  	[smem:$0x3FB8] =	sst s10  }
0x32: {  	s10 =	sld [smem:$0x3FB6];
	_ =	sdelay $0x3  }
0x33: {  	p0 =	seq.s32 s10, $0x1;
	s10 =	sld [smem:$0x3FB8];
	_ =	sdelay $0x3  }
0x34: {  	[smem:$0x3FB8] =	sst s10  }
0x35: {  	s10 =	sld [smem:$0x3FB7];
	_ =	sdelay $0x3  }
0x36: {  	p1 =	seq.s32 s10, $0x1;
	s10 =	sld [smem:$0x3FB8];
	_ =	sdelay $0x3  }
0x37: {  	[smem:$0x3FB8] =	sst s10  }
0x38: {  	s10 =	sld [smem:$0x3FB9]  }
0x39: {  	_ = 	snop;
	(pc) =	sbr.ind lr, $3  }
0x3a: {  	_ = 	snop  }
0x3b: {  	_ = 	snop  }
0x3c: {  	p2 =	seq.s32 s10, $0x1;
	s10 =	sld [smem:$0x3FB8]  }
0x3d: {  	_ =	shalt  }
0x3e: {  	_ =	shalt  }
0x3f: {  	_ =	shalt  }
0x40: {  	_ =	shalt  }
0x41: {  	_ =	shalt  }
0x42: {  	_ =	shalt  }
0x43: {  	_ =	shalt  }
0x44: {  	_ =	shalt  }
0x45: {  	_ =	shalt  }
0x46: {  	_ =	shalt  }
0x47: {  	_ =	shalt  }
0x48: {  	_ =	shalt  }
0x49: {  	_ =	shalt  }
0x4a: {  	_ =	shalt  }
0x4b: {  	_ =	shalt  }
0x4c: {  	_ =	shalt  }
0x4d: {  	_ =	shalt  }
0x4e: {  	_ =	shalt  }
0x4f: {  	_ =	shalt  }
0x50: {  	_ =	shalt  }
0x51: {  	_ =	shalt  }
0x52: {  	_ =	shalt  }
0x53: {  	_ =	shalt  }
0x54: {  	_ =	shalt  }
0x55: {  	_ =	shalt  }
0x56: {  	_ =	shalt  }
0x57: {  	_ =	shalt  }
0x58: {  	_ =	shalt  }
0x59: {  	_ =	shalt  }
0x5a: {  	_ =	shalt  }
0x5b: {  	_ =	shalt  }
0x5c: {  	_ =	shalt  }
0x5d: {  	_ =	shalt  }
0x5e: {  	_ =	shalt  }
0x5f: {  	_ =	shalt  }
0x60: {  	_ =	shalt  }
0x61: {  	_ =	shalt  }
0x62: {  	_ =	shalt  }
0x63: {  	_ =	shalt  }
0x64: {  	_ =	shalt  }
0x65: {  	_ =	shalt  }
0x66: {  	_ =	shalt  }
0x67: {  	_ =	shalt  }
0x68: {  	_ =	shalt  }
0x69: {  	_ =	shalt  }
0x6a: {  	_ =	shalt  }
0x6b: {  	_ =	shalt  }
0x6c: {  	_ =	shalt  }
0x6d: {  	_ =	shalt  }
0x6e: {  	_ =	shalt  }
0x6f: {  	_ =	shalt  }
0x70: {  	_ =	shalt  }
0x71: {  	_ =	shalt  }
0x72: {  	_ =	shalt  }
0x73: {  	_ =	shalt  }
0x74: {  	_ =	shalt  }
0x75: {  	_ =	shalt  }
0x76: {  	_ =	shalt  }
0x77: {  	_ =	shalt  }
0x78: {  	_ =	shalt  }
0x79: {  	_ =	shalt  }
0x7a: {  	_ =	shalt  }
0x7b: {  	_ =	shalt  }
0x7c: {  	_ =	shalt  }
0x7d: {  	_ =	shalt  }
0x7e: {  	_ =	shalt  }
0x7f: {  	_ =	shalt  }
0x80: {  	_ =	shalt  }
0x81: {  	_ =	shalt  }
0x82: {  	_ =	shalt  }
0x83: {  	_ =	shalt  }
0x84: {  	_ =	shalt  }
0x85: {  	_ =	shalt  }
0x86: {  	_ =	shalt  }
0x87: {  	_ =	shalt  }
.Lfunc_end0:
.L_simem_size_0:
called_computation_lowered:
.L_overlay_start_0:
0x88: {  	s2 =	sld [smem:$0x3FD9]  }
0x89: {  	s3 =	sld [smem:$0x3FFE];
	_ =	sdelay $0x1  }
0x8a: {  	s1 =	srdreg.scid  }
0x8b: {  	s0 =	sand.u32 $0x1, s1  }
0x8c: {  	s14 =	sshll.u32 s0, $0xA;
	s2 =	sadd.s32 s3, s2  }
0x8d: {  	s2 =	sadd.s32 s2, s14  }
0x8e: {  	[smem:$0x3FC4] =	sst s2  }
0x8f: {  	_ = 	snop  }
0x90: {  	s2 =	sld [smem:$0x3FD0]  }
0x91: {  	s15 =	sld [smem:$0x3FC8]  }
0x92: {  	s4 =	sld [smem:$0x3FC7]  }
0x93: {  	s6 =	simm.s32 $0xA;
	s7 =	simm.s32 $0x10;
	s5 =	sld [smem:$0x3FC6]  }
0x94: {  	[smem:s7], [sflag:s6] =	dma.local [hbm:s2], $0x1  }
0x95: {  	_ =	swait.eq [sflag:s6], $0x1  }
0x96: {  	[sflag:s6] =	ssyncset.done $0x0  }
0x97: {  	s16 =	sld [smem:$0x10];
	[sflag:s6] =	ssyncadd.s32 $0xFFFFFFFF  }
0x98: {  	s17 =	sld [smem:$0x11];
	(tm) =	ssettm $0x1  }
0x99: {  	s18 =	sld [smem:$0x3FFB];
	_ =	sdelay $0x3  }
0x9a: {  	_ =	strace s18  }
0x9b: {  	s7 =	sld [smem:$0x3FFC];
	_ =	sdelay $0x3  }
0x9c: {  	_ =	strace s7  }
0x9d: {  	s7 =	sld [smem:$0x3FFD];
	_ =	sdelay $0x3  }
0x9e: {  	_ =	strace s7  }
0x9f: {  	_ =	strace $0x8FFFFFFF  }
0xa0: {  	s19 =	sld [smem:$0x3FDB];
	_ =	sdelay $0x1  }
0xa1: {  	s8 =	simm.s32 $_scs_section_size  }
0xa2: {  	s9 =	simm.s32 $_size__tile_overlayer_lowered;
	s10 =	simm.s32 $_tile_overlayer_lowered  }
0xa3: {  	s22 =	simm.s32 $0x1BFF;
	s21 =	sshll.u32 s10, $0x1;
	s7 =	sadd.s32 s8, s19  }
0xa4: {  	s11 =	simm.s32 $0x0;
	s20 =	sshll.u32 s9, $0x1;
	s9 =	sadd.s32 s21, s7  }
0xa5: {  	[timem:s11], [sflag:s22] =	dma.local [hbm:s9], s20  }
0xa6: {  	_ =	swait.ge [sflag:s22], s20  }
0xa7: {  	s8 =	ssub.s32 $0x0, s20;
	[sflag:s22] =	ssyncset.done $0x0  }
0xa8: {  	[sflag:s22] =	ssyncadd.s32 s8;
	_ =	sdelay $0x1  }
0xa9: {  	s23 =	simm.s32 $0x1B8B  }
0xaa: {  	_ =	swait.ge [sflag:s23], $0x1  }
0xab: {  	[sflag:s23] =	ssyncset.done $0x0  }
0xac: {  	s25 =	simm.s32 $0x1B8E;
	s24 =	sld [smem:$0x3FFE];
	[sflag:s23] =	ssyncadd.s32 $0xFFFFFFFF  }
0xad: {  	s26 =	simm.s32 $execute0_lowered;
	[smem:$0x3FD2] =	sst s25  }
0xae: {  	s9 =	sshll.u32 s26, $0x1;
	_ =	strace $0x80000046;
	[dreg:$0x1] =	wrdreg $0xFFFFFFFF  }
0xaf: {  	s28 =	simm.s32 $_size_execute0_lowered;
	s7 =	sadd.s32 s7, s9;
	[dreg:$0x0] =	wrdreg $0x0  }
0xb0: {  	s9 =	sshll.u32 s28, $0x1;
	[dreg:$0x2] =	wrdreg s7  }
0xb1: {  	[dreg:$0x3] =	wrdreg s9  }
0xb2: {  	[dreg:$0x4] =	wrdreg $0xC0  }
0xb3: {  	_ =	task [dreg:s11], $0x5FFFF  }
0xb4: {  	[dreg:$0x1] =	wrdreg $0xFFFFFFFF  }
0xb5: {  	[dreg:$0x0] =	wrdreg $0x60  }
0xb6: {  	[dreg:$0x2] =	wrdreg s17  }
0xb7: {  	[dreg:$0x3] =	wrdreg s16  }
0xb8: {  	[dreg:$0x4] =	wrdreg s15  }
0xb9: {  	[dreg:$0x5] =	wrdreg s4  }
0xba: {  	[dreg:$0x6] =	wrdreg s5  }
0xbb: {  	[dreg:$0x7] =	wrdreg s24  }
0xbc: {  	[dreg:$0x8] =	wrdreg $0x9  }
0xbd: {  	_ =	task.clear_ibuf [dreg:s11], $0x9FFFF;
	_ =	strace $0x90000046  }
0xbe: {  	s29 =	simm.s32 $0x9;
	_ =	strace $0x80000048  }
0xbf: {  	_ =	swait.ge [sflag:s29], $0x1  }
0xc0: {  	[sflag:s29] =	ssyncadd.s32 $0xFFFFFFFF  }
0xc1: {  	_ =	strace $0x90000048  }
0xc2: {  	_ =	sfence  }
0xc3: {  	s30 =	sld [smem:$0x0];
	_ =	sdelay $0x2  }
0xc4: {  	s31 =	sshll.u32 s1, $0xD;
	s1 =	sshrl.u32 s1, $0x2  }
0xc5: {  	s3 =	sand.u32 $0x4000, s31;
	s1 =	sadd.s32 s1, s30  }
0xc6: {  	s0 =	sor.u32 s3, s0;
	s1 =	sshll.u32 s1, $0x11  }
0xc7: {  	s0 =	sor.u32 s1, s0  }
0xc8: {  	s0 =	sadd.s32 $0x8F2B, s0  }
0xc9: {  	[sflag:s0] =	ssyncadd.remote.s32 $0x1  }
0xca: {  	_ =	sfence.sel $0xFFFF  }
0xcb: {  	[dreg:$0x0] =	wrdreg $0xFFFFFFFF;
	(pc) =	sbr.abs _section_cstart, $3  }
0xcc: {  	[dreg:$0x1] =	wrdreg $0xFFFFFFFF  }
0xcd: {  	_ =	task.clear_ibuf [dreg:s11], $0x2FFFF;
	_ =	strace $0x9FFFFFFF  }
0xce: {  	(tm) =	ssettm $0x7FFFFFFF  }
0xcf: {  	_ =	shalt  }
tec
execute0_lowered:
.L_overlay_start_1:
0x0: {  	(tag) =	ssettag $0x1  }
0x1: {  	s0 =	rddreg [dreg:$0x0]  }
0x2: {  	s1 =	rddreg [dreg:$0x1]  }
0x3: {  	s8 =	rddreg [dreg:$0x2]  }
0x4: {  	s9 =	rddreg [dreg:$0x3]  }
0x5: {  	s11 =	rddreg [dreg:$0x4];
	s3 =	srdreg.scid  }
0x6: {  	s2 =	stileid.u32;
	s5 =	rddreg [dreg:$0x5];
	s15 =	simm.s32 $0x1A00  }
0x7: {  	s16 =	simm.s32 $0xC30;
	s17 =	simm.s32 $0x1930;
	s18 =	simm.s32 $0x2630  }
0x8: {  	s19 =	simm.s32 $0x2700;
	s20 =	simm.s32 $0x2800;
	s21 =	simm.s32 $0x1  }
0x9: {  	s22 =	simm.s32 $0x2;
	s23 =	simm.s32 $0x2900;
	s24 =	simm.s32 $0x80  }
0xa: {  	s25 =	simm.s32 $0x400;
	s26 =	simm.s32 $0x3;
	s28 =	simm.s32 $0x0  }
0xb: {  	s6 =	sand.u32 $0x1, s3;
	s4 =	sshll.u32 s2, $0x1;
	s3 =	rddreg [dreg:$0x6]  }
0xc: {  	s7 =	sshrl.u32 s2, $0x2;
	s10 =	sor.u32 s6, s4;
	s4 =	simm.s32 $0x0  }
0xd: {  	s7 =	smul.u32 $0x6B800, s7;
	s6 =	ssub.s32 $0x2, s6;
	s12 =	sshll.u32 s10, $0x7  }
0xe: {  	[smem:$0x7FF] =	sst s4;
	s31 =	smul.u32 $0x186, s10;
	s13 =	sshrl.u32 s6, $0x1  }
0xf: {  	p0 =	seq.s32 s10, $0x1F;
	s10 =	simm.s32 $0xD0;
	s12 =	sand.u32 $0x380, s12  }
0x10: {  	_ =	strace $0x80000047;
	s13 =	ssub.s32 s6, s13;
	s7 =	sor.u32 s7, s12  }
0x11: {  	s10 =	simm.s32 @!p0 $0x30;
	s6 =	sadd.s32 s9, s31;
	s7 =	sshrl.u32 s7, $0x3  }
0x12: {  	s9 =	sadd.s32 $0x30C0, s9;
	s13 =	smax.u32 s13, $0x1;
	s14 =	sadd.s32 s7, s5  }
0x13: {  	s5 =	sadd.s32 s8, s31;
	s7 =	sadd.s32 s11, s31;
	s8 =	sadd.s32 $0x30C0, s8  }
0x14: {  	v0 =	vimm.f32 $0.0e+00;
	s11 =	sadd.s32 $0x30C0, s11;
	s12 =	sadd.s32 $0xE00, s14;
	s14 =	simm.s32 $0xD00  }
.LBB2_1:
0x15: {  	[tilespmem:s4], [sflag:$0x1] =	stream.linear.gather [hbm4b:s5+s4], $0xC30, $0x38;
	[tilespmem:$0x10000] =	vst v63  }
0x16: {  	_ = 	snop  }
0x17: {  	[tilespmem:s14], [sflag:$0x1] =	stream.linear.gather [hbm4b:s6+s4], $0xC30, $0x38;
	[tilespmem:$0x10000] =	vst v63  }
0x18: {  	_ = 	snop  }
0x19: {  	[tilespmem:s15], [sflag:$0x1] =	stream.linear.gather [hbm4b:s7+s4], $0xC30, $0x38;
	[tilespmem:$0x10000] =	vst v63  }
0x1a: {  	_ = 	snop  }
0x1b: {  	[tilespmem:s16], [sflag:$0x1] =	stream.linear.gather [hbm4b:s8+s4], $0xA0, $0x38;
	[tilespmem:$0x10000] =	vst v63  }
0x1c: {  	_ = 	snop  }
0x1d: {  	[tilespmem:s17], [sflag:$0x1] =	stream.linear.gather [hbm4b:s9+s4], $0xA0, $0x38;
	[tilespmem:$0x10000] =	vst v63  }
0x1e: {  	_ = 	snop  }
0x1f: {  	[tilespmem:s18], [sflag:$0x1] =	stream.linear.gather [hbm4b:s11+s4], $0xA0, $0x38;
	[tilespmem:$0x10000] =	vst v63  }
0x20: {  	_ = 	snop  }
0x21: {  	[tilespmem:s19], [sflag:$0x2] =	stream.linear.gather [hbm4b:s0+s4], $0x100, $0x38;
	[tilespmem:$0x10000] =	vst v63  }
0x22: {  	s29 =	simm.s32 $0x0;
	s30 =	simm.s32 $0x200  }
0x23: {  	[tilespmem:s20], [sflag:$0x2] =	stream.linear.gather [hbm4b:s1+s4], $0x100, $0x38;
	[tilespmem:$0x10000] =	vst v63  }
.LBB2_2:
0x24: {  	p0 =	sne.s32 s30, $0x35A00;
	[tilespmem:s29+$0x2970] =	vst v0  }
0x25: {  	[tilespmem:s29+$0x2900] =	vst v0  }
0x26: {  	[tilespmem:s29+$0x2910] =	vst v0  }
.Ltmp0:
0x27: {  	[tilespmem:s29+$0x2920] =	vst v0;
	(pc) =	sbr.rel @p0 .LBB2_2-.Ltmp0, $4  }
0x28: {  	[tilespmem:s29+$0x2930] =	vst v0  }
0x29: {  	[tilespmem:s29+$0x2940] =	vst v0  }
0x2a: {  	[tilespmem:s29+$0x2950] =	vst v0  }
0x2b: {  	[tilespmem:s29+$0x2960] =	vst v0;
	s29 =	sshra.s32 s30, $0x2;
	s30 =	sadd.s32 $0x200, s30  }
0x2c: {  	[tilespmem:s29+$0x2970] =	vst v0  }
0x2d: {  	[tilespmem:s29+$0x2900] =	vst v0  }
0x2e: {  	[tilespmem:s29+$0x2910] =	vst v0  }
0x2f: {  	[tilespmem:s29+$0x2920] =	vst v0  }
0x30: {  	[tilespmem:s29+$0x2930] =	vst v0  }
0x31: {  	[tilespmem:s29+$0x2940] =	vst v0  }
0x32: {  	[tilespmem:s29+$0x2950] =	vst v0  }
0x33: {  	[tilespmem:s29+$0x2960] =	vst v0  }
0x34: {  	_ =	swait.ge [sflag:s21], $0xC30  }
0x35: {  	[sflag:s21] =	ssyncset.done $0x0  }
0x36: {  	[sflag:s21] =	ssyncadd.s32 $0xFFFFF3D0  }
0x37: {  	_ =	swait.ge [sflag:s21], $0xC30  }
0x38: {  	[sflag:s21] =	ssyncset.done $0x0  }
0x39: {  	[sflag:s21] =	ssyncadd.s32 $0xFFFFF3D0  }
0x3a: {  	_ =	swait.ge [sflag:s21], $0xC30  }
0x3b: {  	[sflag:s21] =	ssyncset.done $0x0  }
0x3c: {  	[sflag:s21] =	ssyncadd.s32 $0xFFFFF3D0  }
0x3d: {  	_ =	swait.ge [sflag:s21], $0xA0  }
0x3e: {  	[sflag:s21] =	ssyncset.done $0x0  }
0x3f: {  	[sflag:s21] =	ssyncadd.s32 $0xFFFFFF60  }
0x40: {  	_ =	swait.ge [sflag:s21], $0xA0  }
0x41: {  	[sflag:s21] =	ssyncset.done $0x0  }
0x42: {  	[sflag:s21] =	ssyncadd.s32 $0xFFFFFF60  }
0x43: {  	_ =	swait.ge [sflag:s21], $0xA0  }
0x44: {  	[sflag:s21] =	ssyncset.done $0x0  }
0x45: {  	[sflag:s21] =	ssyncadd.s32 $0xFFFFFF60  }
0x46: {  	_ =	swait.ge [sflag:s22], $0x100  }
0x47: {  	[sflag:s22] =	ssyncset.done $0x0  }
0x48: {  	[sflag:s22] =	ssyncadd.s32 $0xFFFFFF00  }
0x49: {  	_ =	swait.ge [sflag:s22], $0x100  }
0x4a: {  	[sflag:s22] =	ssyncset.done $0x0  }
0x4b: {  	s29 =	simm.s32 $0x0;
	s30 =	simm.s32 $0x0;
	[sflag:s22] =	ssyncadd.s32 $0xFFFFFF00  }
.LBB2_4:
0x4c: {  	s31 =	sshra.s32 s30, $0x2  }
0x4d: {  	v1 =	vld [tilespmem:s31+$0xD00]  }
0x4e: {  	v2 =	vld [tilespmem:s31+$0x1A00];
	_ =	sdelay $0x1  }
0x4f: {  	v3 =	vld [tilespmem:s31+$0x0];
	_ =	sdelay $0x2  }
0x50: {  	v2 =	vmul.u32 $0x1388, v2;
	_ =	sdelay $0x1  }
0x51: {  	v2 =	vadd.s32 v2, v3;
	v4 =	vld.idx.msk [tilespmem:v1+s19+$0x0], $0xffff  }
0x52: {  	v1 =	vld.idx.msk [tilespmem:v1+s20+$0x0], $0xffff;
	v2 =	vadd.s32 $0x1390, v2;
	_ =	sdelay $0x3  }
0x53: {  	[tilespmem:v3+s23+$0x0] =	vst.idx.add.f32.msk $0xffff, v4  }
0x54: {  	[tilespmem:v2+s23+$0x0] =	vst.idx.add.f32.msk $0xffff, v1  }
0x55: {  	v1 =	vld [tilespmem:s31+$0xD10]  }
0x56: {  	v2 =	vld [tilespmem:s31+$0x1A10];
	_ =	sdelay $0x1  }
0x57: {  	v3 =	vld [tilespmem:s31+$0x10];
	_ =	sdelay $0x2  }
0x58: {  	v2 =	vmul.u32 $0x1388, v2;
	_ =	sdelay $0x1  }
0x59: {  	v2 =	vadd.s32 v2, v3;
	v4 =	vld.idx.msk [tilespmem:v1+s19+$0x0], $0xffff  }
0x5a: {  	v1 =	vld.idx.msk [tilespmem:v1+s20+$0x0], $0xffff;
	v2 =	vadd.s32 $0x1390, v2;
	_ =	sdelay $0x3  }
0x5b: {  	[tilespmem:v3+s23+$0x0] =	vst.idx.add.f32.msk $0xffff, v4  }
0x5c: {  	[tilespmem:v2+s23+$0x0] =	vst.idx.add.f32.msk $0xffff, v1  }
0x5d: {  	v1 =	vld [tilespmem:s31+$0xD20]  }
0x5e: {  	v2 =	vld [tilespmem:s31+$0x1A20];
	_ =	sdelay $0x1  }
0x5f: {  	v3 =	vld [tilespmem:s31+$0x20];
	_ =	sdelay $0x2  }
0x60: {  	v2 =	vmul.u32 $0x1388, v2;
	_ =	sdelay $0x1  }
0x61: {  	v2 =	vadd.s32 v2, v3;
	v4 =	vld.idx.msk [tilespmem:v1+s19+$0x0], $0xffff  }
0x62: {  	v1 =	vld.idx.msk [tilespmem:v1+s20+$0x0], $0xffff;
	v2 =	vadd.s32 $0x1390, v2;
	_ =	sdelay $0x3  }
0x63: {  	[tilespmem:v3+s23+$0x0] =	vst.idx.add.f32.msk $0xffff, v4  }
0x64: {  	[tilespmem:v2+s23+$0x0] =	vst.idx.add.f32.msk $0xffff, v1  }
0x65: {  	v1 =	vld [tilespmem:s31+$0xD30]  }
0x66: {  	v2 =	vld [tilespmem:s31+$0x1A30];
	_ =	sdelay $0x1  }
0x67: {  	v3 =	vld [tilespmem:s31+$0x30];
	_ =	sdelay $0x2  }
0x68: {  	v2 =	vmul.u32 $0x1388, v2;
	_ =	sdelay $0x1  }
0x69: {  	v2 =	vadd.s32 v2, v3;
	v4 =	vld.idx.msk [tilespmem:v1+s19+$0x0], $0xffff  }
0x6a: {  	v1 =	vld.idx.msk [tilespmem:v1+s20+$0x0], $0xffff;
	v2 =	vadd.s32 $0x1390, v2;
	_ =	sdelay $0x3  }
0x6b: {  	[tilespmem:v3+s23+$0x0] =	vst.idx.add.f32.msk $0xffff, v4  }
0x6c: {  	[tilespmem:v2+s23+$0x0] =	vst.idx.add.f32.msk $0xffff, v1  }
0x6d: {  	v1 =	vld [tilespmem:s31+$0xD40]  }
0x6e: {  	v2 =	vld [tilespmem:s31+$0x1A40];
	_ =	sdelay $0x1  }
0x6f: {  	v3 =	vld [tilespmem:s31+$0x40];
	_ =	sdelay $0x2  }
0x70: {  	v2 =	vmul.u32 $0x1388, v2;
	_ =	sdelay $0x1  }
0x71: {  	v2 =	vadd.s32 v2, v3;
	v4 =	vld.idx.msk [tilespmem:v1+s19+$0x0], $0xffff  }
0x72: {  	v1 =	vld.idx.msk [tilespmem:v1+s20+$0x0], $0xffff;
	v2 =	vadd.s32 $0x1390, v2;
	_ =	sdelay $0x3  }
0x73: {  	[tilespmem:v3+s23+$0x0] =	vst.idx.add.f32.msk $0xffff, v4  }
0x74: {  	[tilespmem:v2+s23+$0x0] =	vst.idx.add.f32.msk $0xffff, v1  }
0x75: {  	v1 =	vld [tilespmem:s31+$0xD50]  }
0x76: {  	v2 =	vld [tilespmem:s31+$0x1A50];
	_ =	sdelay $0x1  }
0x77: {  	v3 =	vld [tilespmem:s31+$0x50];
	_ =	sdelay $0x2  }
0x78: {  	v2 =	vmul.u32 $0x1388, v2;
	_ =	sdelay $0x1  }
0x79: {  	v2 =	vadd.s32 v2, v3;
	v4 =	vld.idx.msk [tilespmem:v1+s19+$0x0], $0xffff  }
0x7a: {  	v1 =	vld.idx.msk [tilespmem:v1+s20+$0x0], $0xffff;
	v2 =	vadd.s32 $0x1390, v2;
	_ =	sdelay $0x3  }
0x7b: {  	[tilespmem:v3+s23+$0x0] =	vst.idx.add.f32.msk $0xffff, v4  }
0x7c: {  	[tilespmem:v2+s23+$0x0] =	vst.idx.add.f32.msk $0xffff, v1  }
0x7d: {  	v1 =	vld [tilespmem:s31+$0xD60]  }
0x7e: {  	v2 =	vld [tilespmem:s31+$0x1A60];
	_ =	sdelay $0x1  }
0x7f: {  	v3 =	vld [tilespmem:s31+$0x60];
	_ =	sdelay $0x2  }
0x80: {  	v2 =	vmul.u32 $0x1388, v2;
	_ =	sdelay $0x1  }
0x81: {  	v2 =	vadd.s32 v2, v3;
	v4 =	vld.idx.msk [tilespmem:v1+s19+$0x0], $0xffff  }
0x82: {  	v1 =	vld.idx.msk [tilespmem:v1+s20+$0x0], $0xffff;
	v2 =	vadd.s32 $0x1390, v2;
	_ =	sdelay $0x3  }
0x83: {  	[tilespmem:v3+s23+$0x0] =	vst.idx.add.f32.msk $0xffff, v4  }
0x84: {  	[tilespmem:v2+s23+$0x0] =	vst.idx.add.f32.msk $0xffff, v1  }
0x85: {  	v1 =	vld [tilespmem:s31+$0xD70]  }
0x86: {  	v2 =	vld [tilespmem:s31+$0x1A70];
	_ =	sdelay $0x1  }
0x87: {  	v3 =	vld [tilespmem:s31+$0x70];
	_ =	sdelay $0x2  }
0x88: {  	v2 =	vmul.u32 $0x1388, v2;
	_ =	sdelay $0x1  }
0x89: {  	v2 =	vadd.s32 v2, v3;
	v4 =	vld.idx.msk [tilespmem:v1+s19+$0x0], $0xffff  }
0x8a: {  	p0 =	sne.s32 s30, $0x2E00;
	v1 =	vld.idx.msk [tilespmem:v1+s20+$0x0], $0xffff;
	v2 =	vadd.s32 $0x1390, v2  }
.Ltmp1:
0x8b: {  	_ = 	snop;
	(pc) =	sbr.rel @p0 .LBB2_4-.Ltmp1, $3  }
0x8c: {  	_ =	sdelay $0x1  }
0x8d: {  	[tilespmem:v3+s23+$0x0] =	vst.idx.add.f32.msk $0xffff, v4  }
0x8e: {  	s30 =	sadd.s32 $0x200, s30;
	[tilespmem:v2+s23+$0x0] =	vst.idx.add.f32.msk $0xffff, v1  }
0x8f: {  	s30 =	sand.u32 $0xFFFFFFF0, s29  }
0x90: {  	v1 =	vld [tilespmem:s30+$0x1900]  }
0x91: {  	v2 =	vld [tilespmem:s30+$0x2600];
	_ =	sdelay $0x1  }
0x92: {  	v3 =	vld [tilespmem:s30+$0xC00];
	_ =	sdelay $0x2  }
0x93: {  	v2 =	vmul.u32 $0x1388, v2  }
0x94: {  	s29 =	sadd.s32 $0x10, s29  }
0x95: {  	p0 =	sne.s32 s10, s29;
	v2 =	vadd.s32 v2, v3;
	v4 =	vld.idx.msk [tilespmem:v1+s19+$0x0], $0xffff  }
.Ltmp2:
0x96: {  	v1 =	vld.idx.msk [tilespmem:v1+s20+$0x0], $0xffff;
	v2 =	vadd.s32 $0x1390, v2;
	(pc) =	sbr.rel @!p0 .LBB2_7-.Ltmp2, $2  }
0x97: {  	_ =	sdelay $0x2  }
0x98: {  	[tilespmem:v3+s23+$0x0] =	vst.idx.add.f32.msk $0xffff, v4  }
.LBB2_6:
0x99: {  	s30 =	sand.u32 $0xFFFFFFF0, s29;
	[tilespmem:v2+s23+$0x0] =	vst.idx.add.f32.msk $0xffff, v1  }
0x9a: {  	s29 =	sadd.s32 $0x10, s29;
	v1 =	vld [tilespmem:s30+$0x1900]  }
0x9b: {  	p0 =	sne.s32 s10, s29  }
0x9c: {  	v2 =	vld [tilespmem:s30+$0x2600];
	_ =	sdelay $0x1  }
0x9d: {  	v3 =	vld [tilespmem:s30+$0xC00];
	_ =	sdelay $0x2  }
0x9e: {  	v2 =	vmul.u32 $0x1388, v2  }
0x9f: {  	v4 =	vld.idx.msk [tilespmem:v1+s19+$0x0], $0xffff  }
0xa0: {  	v1 =	vld.idx.msk [tilespmem:v1+s20+$0x0], $0xffff;
	v2 =	vadd.s32 v2, v3  }
.Ltmp3:
0xa1: {  	v2 =	vadd.s32 $0x1390, v2;
	(pc) =	sbr.rel @p0 .LBB2_6-.Ltmp3, $2  }
0xa2: {  	_ =	sdelay $0x2  }
0xa3: {  	[tilespmem:v3+s23+$0x0] =	vst.idx.add.f32.msk $0xffff, v4  }
.LBB2_7:
0xa4: {  	_ =	sdelay $0x1  }
0xa5: {  	s28 =	sadd.s32 $0x1, s28  }
0xa6: {  	p0 =	sne.s32 s28, s13  }
.Ltmp4:
0xa7: {  	[tilespmem:v2+s23+$0x0] =	vst.idx.add.f32.msk $0xffff, v1;
	(pc) =	sbr.rel @p0 .LBB2_1-.Ltmp4, $4  }
0xa8: {  	[hbm4b:s12+s24] =	stream.strided.scatter [tilespmem:s23], [sflag:$0x3], $0xD700, s25, s24, $0x38;
	[tilespmem:$0x10000] =	vst v63  }
0xa9: {  	_ =	swait.ge [sflag:s26], $0xD700  }
0xaa: {  	[sflag:s26] =	ssyncset.done $0x0  }
0xab: {  	[sflag:s26] =	ssyncadd.s32 $0xFFFF2900  }
0xac: {  	_ =	sfence.sel $0x180000  }
0xad: {  	[bflag:$0x0] =	sbarrier.arrive $0xFFFF  }
0xae: {  	p0 =	sne.s32 s2, $0x0;
	_ =	strace $0x90000047  }
0xaf: {  	s0 =	sadd.s32 @!p0 $0x100000, s3;
	[bflag:$0x2] =	sbarrier.arrive $0xFFFF  }
0xb0: {  	[sflag:s0] =	ssyncadd.tile.s32 @!p0 $0x1;
	_ =	shalt  }
.Lfunc_end2:
_tile_overlayer_lowered:
.L_overlay_start_2:
0xb1: {  	(tag) =	ssettag $0x2  }
0xb2: {  	s0 =	rddreg [dreg:$0x0];
	s2 =	stileid.u32  }
0xb3: {  	s1 =	rddreg [dreg:$0x1];
	p0 =	sne.s32 s2, $0x0  }
0xb4: {  	s3 =	rddreg [dreg:$0x2];
	[bflag:$0x3] =	sbarrier.arrive $0xFFFF;
	s2 =	simm.s32 @!p0 $0x1C03  }
0xb5: {  	[timem:s3], [sflag:s2] =	dma.local @!p0 [hbm:s0], s1  }
0xb6: {  	s0 =	simm.s32 @!p0 $0x3  }
0xb7: {  	_ =	swait.ge @!p0 [sflag:s0], s1  }
0xb8: {  	s1 =	ssub.s32 @!p0 $0x0, s1;
	[sflag:s0] =	ssyncset.done @!p0 $0x0  }
0xb9: {  	[sflag:s0] =	ssyncadd.s32 @!p0 s1  }
0xba: {  	[bflag:$0x3] =	sbarrier.arrive $0xFFFF  }
0xbb: {  	_ =	shalt  }

</sc_bundles>
